<compile_context>
chip_gen: v7x
topology: tpu7x:2x2x1
jax: 0.10.2.dev20260603
libtpu: 0.0.44.dev20260713+nightly
codegen_flags: <defaults>
</compile_context>

<pallas_src>
import functools

import jax
import jax.numpy as jnp
from jax import lax
from jax.experimental import pallas as pl
from jax.experimental.pallas import tpu as pltpu
from jax.experimental.pallas import tpu_sc as plsc

_GAMMA = 1.0
_ALPHA = 0.0001
_BATCH = 4096
_D = 128
_NW = 32
_BPW = _BATCH // _NW
_NBUF = 6


@functools.cache
def _sc_gather_call(tables):
    n = len(tables)
    mesh = plsc.VectorSubcoreMesh(core_axis_name="c", subcore_axis_name="s")

    @functools.partial(
        pl.kernel,
        out_type=jax.ShapeDtypeStruct((n * _BATCH, _D), jnp.float32),
        mesh=mesh,
        scratch_types=(
            [pltpu.VMEM((n, _BPW), jnp.int32),
             pltpu.VMEM((_NBUF, _BPW, _D), jnp.float32),
             pltpu.SemaphoreType.DMA]
            + [pltpu.SemaphoreType.DMA] * (2 * _NBUF)
        ),
    )
    def _sc_gather(*refs):
        idx_refs = refs[:n]
        ent_hbm, rel_hbm, out_hbm, idx_v, rows_v, isem = refs[n:n + 6]
        bufsems = refs[n + 6:]
        gsem = bufsems[:_NBUF]
        wsem = bufsems[_NBUF:]
        wid = lax.axis_index("s") * 2 + lax.axis_index("c")
        base = wid * _BPW

        icopies = [
            pltpu.async_copy(idx_refs[a].at[pl.ds(base, _BPW)], idx_v.at[a],
                             isem)
            for a in range(n)
        ]
        for c in icopies:
            c.wait()

        def gather(a):
            table = rel_hbm if tables[a] else ent_hbm
            b = a % _NBUF
            return pltpu.async_copy(table.at[idx_v.at[a]], rows_v.at[b],
                                    gsem[b])

        depth = 6
        g = {}
        w = {}
        for a in range(min(depth, n)):
            g[a] = gather(a)
        for a in range(n):
            b = a % _NBUF
            g[a].wait()
            if a + depth < n:
                if a + depth - _NBUF >= 0:
                    w[a + depth - _NBUF].wait()
                g[a + depth] = gather(a + depth)
            w[a] = pltpu.async_copy(
                rows_v.at[b], out_hbm.at[pl.ds(a * _BATCH + base, _BPW)],
                wsem[b])
        for a in range(max(0, n - _NBUF), n):
            w[a].wait()

    return _sc_gather


def _dist_body(ht_ref, r_ref, o_ref, s1_ref):
    i = pl.program_id(0)
    ones = jnp.ones((_D, _D), jnp.float32)

    def rowsum_rep(x):
        return lax.dot_general(x, ones, (((1,), (0,)), ((), ())),
                               preferred_element_type=jnp.float32)

    def half_dist():
        ht = ht_ref[0]
        r = r_ref[0]
        htn = ht * lax.rsqrt(rowsum_rep(ht * ht))
        rn = r * lax.rsqrt(rowsum_rep(r * r))
        d = htn[0:_BATCH] + rn - htn[_BATCH:2 * _BATCH]
        return jnp.sqrt(rowsum_rep(d * d))

    @pl.when(i == 0)
    def _():
        s1_ref[...] = half_dist()

    @pl.when(i == 1)
    def _():
        o_ref[...] = (s1_ref[...] - half_dist())[:, 0]


_dist_call = pl.pallas_call(
    _dist_body,
    grid=(2,),
    in_specs=[pl.BlockSpec((1, 2 * _BATCH, _D), lambda i: (i, 0, 0)),
              pl.BlockSpec((1, _BATCH, _D), lambda i: (i, 2, 0))],
    out_specs=pl.BlockSpec((_BATCH,), lambda i: (0,)),
    out_shape=jax.ShapeDtypeStruct((_BATCH,), jnp.float32),
    scratch_shapes=[pltpu.VMEM((_BATCH, _D), jnp.float32)],
)


def _reg_body(u_ref, i_ref, b_ref, s_ref, o_ref):
    reg = jnp.float32(0.0)
    for ref in (u_ref, i_ref, b_ref):
        a_rows = ref[0]
        gram = lax.dot_general(a_rows, a_rows, (((0,), (0,)), ((), ())),
                               preferred_element_type=jnp.float32)
        reg = reg + jnp.sqrt(jnp.sum(gram * gram))
    o_ref[...] = _GAMMA + s_ref[...] + _ALPHA * reg


_reg_call = pl.pallas_call(
    _reg_body,
    grid=(1,),
    in_specs=[pl.BlockSpec((1, _BATCH, _D), lambda i: (0, 0, 0)),
              pl.BlockSpec((1, _BATCH, _D), lambda i: (1, 0, 0)),
              pl.BlockSpec((1, _BATCH, _D), lambda i: (2, 0, 0)),
              pl.BlockSpec((_BATCH,), lambda i: (0,))],
    out_specs=pl.BlockSpec((_BATCH,), lambda i: (0,)),
    out_shape=jax.ShapeDtypeStruct((_BATCH,), jnp.float32),
)


def kernel(head, tail, relation, n_head, n_tail, n_relation, reg_user,
           reg_item, reg_brand, entity_embed, relation_embed):
    score_idxs = [x.astype(jnp.int32) for x in (
        head, tail, relation, n_head, n_tail, n_relation)]
    reg_idxs = [x.astype(jnp.int32) for x in (reg_user, reg_item, reg_brand)]
    score_rows = _sc_gather_call((0, 0, 1, 0, 0, 1))(
        *score_idxs, entity_embed, relation_embed)
    reg_rows = _sc_gather_call((0, 0, 0))(
        *reg_idxs, entity_embed, relation_embed)
    score3d = score_rows.reshape(2, 3 * _BATCH, _D)
    reg3d = reg_rows.reshape(3, _BATCH, _D)
    sdiff = _dist_call(score3d, score3d)
    return _reg_call(reg3d, reg3d, reg3d, sdiff)

# --- scband reference (transcript-rebuilt; emitter-appended) ---
"""Pipeline reference for scband-sparse-trans-e-11690900980525 (READ-ONLY COPY).

The authoritative reference and input builder live on the scoring server;
editing this copy changes nothing except your own understanding.
"""

import jax, jax.numpy as jnp
import numpy as np

GAMMA = 1.0
ALPHA = 0.0001
ENTITY_SIZE = 100000
RELATION_SIZE = 1000
EMBED_DIM = 128
BATCH = 4096


def setup_inputs(seed: int = 0) -> dict:
    key = jax.random.key(seed)
    ks = jax.random.split(key, 11)
    inp = {}
    inp['head'] = jax.random.randint(ks[0], (BATCH,), 0, ENTITY_SIZE)
    inp['tail'] = jax.random.randint(ks[1], (BATCH,), 0, ENTITY_SIZE)
    inp['relation'] = jax.random.randint(ks[2], (BATCH,), 0, RELATION_SIZE)
    inp['n_head'] = jax.random.randint(ks[3], (BATCH,), 0, ENTITY_SIZE)
    inp['n_tail'] = jax.random.randint(ks[4], (BATCH,), 0, ENTITY_SIZE)
    inp['n_relation'] = jax.random.randint(ks[5], (BATCH,), 0, RELATION_SIZE)
    inp['reg_user'] = jax.random.randint(ks[6], (BATCH,), 0, ENTITY_SIZE)
    inp['reg_item'] = jax.random.randint(ks[7], (BATCH,), 0, ENTITY_SIZE)
    inp['reg_brand'] = jax.random.randint(ks[8], (BATCH,), 0, ENTITY_SIZE)
    inp['entity_embed'] = jax.random.normal(ks[9], (ENTITY_SIZE, EMBED_DIM), dtype=jnp.float32)
    inp['relation_embed'] = jax.random.normal(ks[10], (RELATION_SIZE, EMBED_DIM), dtype=jnp.float32)
    return inp


def _normalize(x):
    return x / jnp.linalg.norm(x, axis=1, keepdims=True)


def reference(head, tail, relation, n_head, n_tail, n_relation, reg_user, reg_item, reg_brand, entity_embed, relation_embed):
    h = _normalize(jnp.take(entity_embed, head, axis=0))
    t = _normalize(jnp.take(entity_embed, tail, axis=0))
    r = _normalize(jnp.take(relation_embed, relation, axis=0))
    n_h = _normalize(jnp.take(entity_embed, n_head, axis=0))
    n_t = _normalize(jnp.take(entity_embed, n_tail, axis=0))
    n_r = _normalize(jnp.take(relation_embed, n_relation, axis=0))
    score = GAMMA + jnp.linalg.norm(h + r - t, axis=1) - jnp.linalg.norm(n_h + n_r - n_t, axis=1)
    reg_u = jnp.take(entity_embed, reg_user, axis=0)
    reg_i = jnp.take(entity_embed, reg_item, axis=0)
    reg_b = jnp.take(entity_embed, reg_brand, axis=0)
    reg = (jnp.linalg.norm(reg_u @ reg_u.T)
           + jnp.linalg.norm(reg_i @ reg_i.T)
           + jnp.linalg.norm(reg_b @ reg_b.T))
    score = score + ALPHA * reg
    return score

if __name__ == "__main__":
    import jax
    _d = setup_inputs()
    print(jax.jit(kernel)(*tuple(_d.values())))

</pallas_src>

<mosaic_0001>
#map = affine_map<(d0, d1) -> (0)>
#map1 = affine_map<(d0, d1) -> (0, 0)>
module attributes {stable_mosaic.version = 14 : i64} {
  func.func @_sc_gather(%arg0: i32, %arg1: i32, %arg2: memref<4096xi32, #tpu.memory_space<hbm>>, %arg3: memref<4096xi32, #tpu.memory_space<hbm>>, %arg4: memref<4096xi32, #tpu.memory_space<hbm>>, %arg5: memref<100000x128xf32, #tpu.memory_space<hbm>>, %arg6: memref<1000x128xf32, #tpu.memory_space<hbm>>, %arg7: memref<12288x128xf32, #tpu.memory_space<hbm>>, %arg8: memref<3x128xi32, #tpu.memory_space<vmem>>, %arg9: memref<6x128x128xf32, #tpu.memory_space<vmem>>, %arg10: memref<!tpu.dma_semaphore, #tpu.memory_space<semaphore_mem>>, %arg11: memref<!tpu.dma_semaphore, #tpu.memory_space<semaphore_mem>>, %arg12: memref<!tpu.dma_semaphore, #tpu.memory_space<semaphore_mem>>, %arg13: memref<!tpu.dma_semaphore, #tpu.memory_space<semaphore_mem>>, %arg14: memref<!tpu.dma_semaphore, #tpu.memory_space<semaphore_mem>>, %arg15: memref<!tpu.dma_semaphore, #tpu.memory_space<semaphore_mem>>, %arg16: memref<!tpu.dma_semaphore, #tpu.memory_space<semaphore_mem>>, %arg17: memref<!tpu.dma_semaphore, #tpu.memory_space<semaphore_mem>>, %arg18: memref<!tpu.dma_semaphore, #tpu.memory_space<semaphore_mem>>, %arg19: memref<!tpu.dma_semaphore, #tpu.memory_space<semaphore_mem>>, %arg20: memref<!tpu.dma_semaphore, #tpu.memory_space<semaphore_mem>>, %arg21: memref<!tpu.dma_semaphore, #tpu.memory_space<semaphore_mem>>, %arg22: memref<!tpu.dma_semaphore, #tpu.memory_space<semaphore_mem>>) attributes {dimension_semantics = [#tpu.dimension_semantics<core_parallel>, #tpu.dimension_semantics<subcore_parallel>], iteration_bounds = array<i64: 2, 16>, scalar_prefetch = 0 : i64, scratch_operands = 15 : i64, tpu.core_type = #tpu.core_type<sc_vector_subcore>, window_params = [{transform_indices = #map}, {transform_indices = #map}, {transform_indices = #map}, {transform_indices = #map1}, {transform_indices = #map1}, {transform_indices = #map1}]} {
    %mul3A = arith.constant 2 : i32
    %mul3A_0 = arith.muli %arg1, %mul3A : i32
    %add3A = arith.addi %mul3A_0, %arg0 : i32
    %mul3A_1 = arith.constant 128 : i32
    %mul3A_2 = arith.muli %add3A, %mul3A_1 : i32
    %dma_start3A = arith.constant 0 : i32
    %dma_start3A_3 = arith.constant 0 : i32
    %dma_start3A_4 = tpu.memref_slice %arg8[%dma_start3A, %dma_start3A_3] : memref<3x128xi32, #tpu.memory_space<vmem>> -> memref<1x128xi32, #tpu.memory_space<vmem>>
    %dma_start3A_5 = tpu.memref_squeeze %dma_start3A_4 : memref<1x128xi32, #tpu.memory_space<vmem>> -> memref<128xi32, #tpu.memory_space<vmem>>
    %dma_start3A_6 = tpu.memref_slice %arg2[%mul3A_2] : memref<4096xi32, #tpu.memory_space<hbm>> -> memref<128xi32, #tpu.memory_space<hbm>>
    %dma_start3A_7 = arith.constant 0 : i32
    %dma_start3A_8 = tpu.memref_slice %arg8[%dma_start3A, %dma_start3A_7] : memref<3x128xi32, #tpu.memory_space<vmem>> -> memref<1x128xi32, #tpu.memory_space<vmem>>
    %dma_start3A_9 = tpu.memref_squeeze %dma_start3A_8 : memref<1x128xi32, #tpu.memory_space<vmem>> -> memref<128xi32, #tpu.memory_space<vmem>>
    %dma_start3A_10 = tpu.memref_slice %arg2[%mul3A_2] : memref<4096xi32, #tpu.memory_space<hbm>> -> memref<128xi32, #tpu.memory_space<hbm>>
    tpu.enqueue_dma source(%dma_start3A_10 : memref<128xi32, #tpu.memory_space<hbm>>) target(%dma_start3A_9 : memref<128xi32, #tpu.memory_space<vmem>>) target_semaphore(%arg10 : memref<!tpu.dma_semaphore, #tpu.memory_space<semaphore_mem>>)
    %dma_start3A_11 = arith.constant 1 : i32
    %dma_start3A_12 = arith.constant 0 : i32
    %dma_start3A_13 = tpu.memref_slice %arg8[%dma_start3A_11, %dma_start3A_12] : memref<3x128xi32, #tpu.memory_space<vmem>> -> memref<1x128xi32, #tpu.memory_space<vmem>>
    %dma_start3A_14 = tpu.memref_squeeze %dma_start3A_13 : memref<1x128xi32, #tpu.memory_space<vmem>> -> memref<128xi32, #tpu.memory_space<vmem>>
    %dma_start3A_15 = tpu.memref_slice %arg3[%mul3A_2] : memref<4096xi32, #tpu.memory_space<hbm>> -> memref<128xi32, #tpu.memory_space<hbm>>
    %dma_start3A_16 = arith.constant 0 : i32
    %dma_start3A_17 = tpu.memref_slice %arg8[%dma_start3A_11, %dma_start3A_16] : memref<3x128xi32, #tpu.memory_space<vmem>> -> memref<1x128xi32, #tpu.memory_space<vmem>>
    %dma_start3A_18 = tpu.memref_squeeze %dma_start3A_17 : memref<1x128xi32, #tpu.memory_space<vmem>> -> memref<128xi32, #tpu.memory_space<vmem>>
    %dma_start3A_19 = tpu.memref_slice %arg3[%mul3A_2] : memref<4096xi32, #tpu.memory_space<hbm>> -> memref<128xi32, #tpu.memory_space<hbm>>
    tpu.enqueue_dma source(%dma_start3A_19 : memref<128xi32, #tpu.memory_space<hbm>>) target(%dma_start3A_18 : memref<128xi32, #tpu.memory_space<vmem>>) target_semaphore(%arg10 : memref<!tpu.dma_semaphore, #tpu.memory_space<semaphore_mem>>)
    %dma_start3A_20 = arith.constant 2 : i32
    %dma_start3A_21 = arith.constant 0 : i32
    %dma_start3A_22 = tpu.memref_slice %arg8[%dma_start3A_20, %dma_start3A_21] : memref<3x128xi32, #tpu.memory_space<vmem>> -> memref<1x128xi32, #tpu.memory_space<vmem>>
    %dma_start3A_23 = tpu.memref_squeeze %dma_start3A_22 : memref<1x128xi32, #tpu.memory_space<vmem>> -> memref<128xi32, #tpu.memory_space<vmem>>
    %dma_start3A_24 = tpu.memref_slice %arg4[%mul3A_2] : memref<4096xi32, #tpu.memory_space<hbm>> -> memref<128xi32, #tpu.memory_space<hbm>>
    %dma_start3A_25 = arith.constant 0 : i32
    %dma_start3A_26 = tpu.memref_slice %arg8[%dma_start3A_20, %dma_start3A_25] : memref<3x128xi32, #tpu.memory_space<vmem>> -> memref<1x128xi32, #tpu.memory_space<vmem>>
    %dma_start3A_27 = tpu.memref_squeeze %dma_start3A_26 : memref<1x128xi32, #tpu.memory_space<vmem>> -> memref<128xi32, #tpu.memory_space<vmem>>
    %dma_start3A_28 = tpu.memref_slice %arg4[%mul3A_2] : memref<4096xi32, #tpu.memory_space<hbm>> -> memref<128xi32, #tpu.memory_space<hbm>>
    tpu.enqueue_dma source(%dma_start3A_28 : memref<128xi32, #tpu.memory_space<hbm>>) target(%dma_start3A_27 : memref<128xi32, #tpu.memory_space<vmem>>) target_semaphore(%arg10 : memref<!tpu.dma_semaphore, #tpu.memory_space<semaphore_mem>>)
    %dma_wait3A = arith.constant 0 : i32
    %dma_wait3A_29 = arith.constant 0 : i32
    %dma_wait3A_30 = tpu.memref_slice %arg8[%dma_wait3A, %dma_wait3A_29] : memref<3x128xi32, #tpu.memory_space<vmem>> -> memref<1x128xi32, #tpu.memory_space<vmem>>
    %dma_wait3A_31 = tpu.memref_squeeze %dma_wait3A_30 : memref<1x128xi32, #tpu.memory_space<vmem>> -> memref<128xi32, #tpu.memory_space<vmem>>
    %dma_wait3A_32 = tpu.memref_slice %arg2[%mul3A_2] : memref<4096xi32, #tpu.memory_space<hbm>> -> memref<128xi32, #tpu.memory_space<hbm>>
    %dma_wait3A_33 = arith.constant 0 : i32
    %dma_wait3A_34 = tpu.memref_slice %arg8[%dma_wait3A, %dma_wait3A_33] : memref<3x128xi32, #tpu.memory_space<vmem>> -> memref<1x128xi32, #tpu.memory_space<vmem>>
    %dma_wait3A_35 = tpu.memref_squeeze %dma_wait3A_34 : memref<1x128xi32, #tpu.memory_space<vmem>> -> memref<128xi32, #tpu.memory_space<vmem>>
    %dma_wait3A_36 = tpu.memref_slice %arg2[%mul3A_2] : memref<4096xi32, #tpu.memory_space<hbm>> -> memref<128xi32, #tpu.memory_space<hbm>>
    tpu.wait_dma2 semaphore(%arg10 : memref<!tpu.dma_semaphore, #tpu.memory_space<semaphore_mem>>) src(%dma_wait3A_36 : memref<128xi32, #tpu.memory_space<hbm>>) dst(%dma_wait3A_35 : memref<128xi32, #tpu.memory_space<vmem>>)
    %dma_wait3A_37 = arith.constant 1 : i32
    %dma_wait3A_38 = arith.constant 0 : i32
    %dma_wait3A_39 = tpu.memref_slice %arg8[%dma_wait3A_37, %dma_wait3A_38] : memref<3x128xi32, #tpu.memory_space<vmem>> -> memref<1x128xi32, #tpu.memory_space<vmem>>
    %dma_wait3A_40 = tpu.memref_squeeze %dma_wait3A_39 : memref<1x128xi32, #tpu.memory_space<vmem>> -> memref<128xi32, #tpu.memory_space<vmem>>
    %dma_wait3A_41 = tpu.memref_slice %arg3[%mul3A_2] : memref<4096xi32, #tpu.memory_space<hbm>> -> memref<128xi32, #tpu.memory_space<hbm>>
    %dma_wait3A_42 = arith.constant 0 : i32
    %dma_wait3A_43 = tpu.memref_slice %arg8[%dma_wait3A_37, %dma_wait3A_42] : memref<3x128xi32, #tpu.memory_space<vmem>> -> memref<1x128xi32, #tpu.memory_space<vmem>>
    %dma_wait3A_44 = tpu.memref_squeeze %dma_wait3A_43 : memref<1x128xi32, #tpu.memory_space<vmem>> -> memref<128xi32, #tpu.memory_space<vmem>>
    %dma_wait3A_45 = tpu.memref_slice %arg3[%mul3A_2] : memref<4096xi32, #tpu.memory_space<hbm>> -> memref<128xi32, #tpu.memory_space<hbm>>
    tpu.wait_dma2 semaphore(%arg10 : memref<!tpu.dma_semaphore, #tpu.memory_space<semaphore_mem>>) src(%dma_wait3A_45 : memref<128xi32, #tpu.memory_space<hbm>>) dst(%dma_wait3A_44 : memref<128xi32, #tpu.memory_space<vmem>>)
    %dma_wait3A_46 = arith.constant 2 : i32
    %dma_wait3A_47 = arith.constant 0 : i32
    %dma_wait3A_48 = tpu.memref_slice %arg8[%dma_wait3A_46, %dma_wait3A_47] : memref<3x128xi32, #tpu.memory_space<vmem>> -> memref<1x128xi32, #tpu.memory_space<vmem>>
    %dma_wait3A_49 = tpu.memref_squeeze %dma_wait3A_48 : memref<1x128xi32, #tpu.memory_space<vmem>> -> memref<128xi32, #tpu.memory_space<vmem>>
    %dma_wait3A_50 = tpu.memref_slice %arg4[%mul3A_2] : memref<4096xi32, #tpu.memory_space<hbm>> -> memref<128xi32, #tpu.memory_space<hbm>>
    %dma_wait3A_51 = arith.constant 0 : i32
    %dma_wait3A_52 = tpu.memref_slice %arg8[%dma_wait3A_46, %dma_wait3A_51] : memref<3x128xi32, #tpu.memory_space<vmem>> -> memref<1x128xi32, #tpu.memory_space<vmem>>
    %dma_wait3A_53 = tpu.memref_squeeze %dma_wait3A_52 : memref<1x128xi32, #tpu.memory_space<vmem>> -> memref<128xi32, #tpu.memory_space<vmem>>
    %dma_wait3A_54 = tpu.memref_slice %arg4[%mul3A_2] : memref<4096xi32, #tpu.memory_space<hbm>> -> memref<128xi32, #tpu.memory_space<hbm>>
    tpu.wait_dma2 semaphore(%arg10 : memref<!tpu.dma_semaphore, #tpu.memory_space<semaphore_mem>>) src(%dma_wait3A_54 : memref<128xi32, #tpu.memory_space<hbm>>) dst(%dma_wait3A_53 : memref<128xi32, #tpu.memory_space<vmem>>)
    %dma_start3A_55 = arith.constant 0 : i32
    %dma_start3A_56 = arith.constant 0 : i32
    %dma_start3A_57 = arith.constant 0 : i32
    %dma_start3A_58 = arith.constant 0 : i32
    %dma_start3A_59 = tpu.memref_slice %arg9[%dma_start3A_56, %dma_start3A_57, %dma_start3A_58] : memref<6x128x128xf32, #tpu.memory_space<vmem>> -> memref<1x128x128xf32, #tpu.memory_space<vmem>>
    %dma_start3A_60 = tpu.memref_squeeze %dma_start3A_59 : memref<1x128x128xf32, #tpu.memory_space<vmem>> -> memref<128x128xf32, #tpu.memory_space<vmem>>
    %dma_start3A_61 = arith.constant 0 : i32
    %dma_start3A_62 = tpu.memref_slice %arg8[%dma_start3A_55, %dma_start3A_61] : memref<3x128xi32, #tpu.memory_space<vmem>> -> memref<1x128xi32, #tpu.memory_space<vmem>>
    %dma_start3A_63 = tpu.memref_squeeze %dma_start3A_62 : memref<1x128xi32, #tpu.memory_space<vmem>> -> memref<128xi32, #tpu.memory_space<vmem>>
    %dma_start3A_64 = arith.constant 0 : i32
    %dma_start3A_65 = arith.constant 0 : i32
    %dma_start3A_66 = tpu.memref_slice %arg5[%dma_start3A_64, %dma_start3A_65] : memref<100000x128xf32, #tpu.memory_space<hbm>> -> memref<100000x128xf32, #tpu.memory_space<hbm>>
    tpu.enqueue_indirect_dma source(%dma_start3A_66 : memref<100000x128xf32, #tpu.memory_space<hbm>>) target(%dma_start3A_60 : memref<128x128xf32, #tpu.memory_space<vmem>>) offsets(%dma_start3A_63 : memref<128xi32, #tpu.memory_space<vmem>>) semaphore(%arg11 : memref<!tpu.dma_semaphore, #tpu.memory_space<semaphore_mem>>)
    %dma_start3A_67 = arith.constant 1 : i32
    %dma_start3A_68 = arith.constant 1 : i32
    %dma_start3A_69 = arith.constant 0 : i32
    %dma_start3A_70 = arith.constant 0 : i32
    %dma_start3A_71 = tpu.memref_slice %arg9[%dma_start3A_68, %dma_start3A_69, %dma_start3A_70] : memref<6x128x128xf32, #tpu.memory_space<vmem>> -> memref<1x128x128xf32, #tpu.memory_space<vmem>>
    %dma_start3A_72 = tpu.memref_squeeze %dma_start3A_71 : memref<1x128x128xf32, #tpu.memory_space<vmem>> -> memref<128x128xf32, #tpu.memory_space<vmem>>
    %dma_start3A_73 = arith.constant 0 : i32
    %dma_start3A_74 = tpu.memref_slice %arg8[%dma_start3A_67, %dma_start3A_73] : memref<3x128xi32, #tpu.memory_space<vmem>> -> memref<1x128xi32, #tpu.memory_space<vmem>>
    %dma_start3A_75 = tpu.memref_squeeze %dma_start3A_74 : memref<1x128xi32, #tpu.memory_space<vmem>> -> memref<128xi32, #tpu.memory_space<vmem>>
    %dma_start3A_76 = arith.constant 0 : i32
    %dma_start3A_77 = arith.constant 0 : i32
    %dma_start3A_78 = tpu.memref_slice %arg5[%dma_start3A_76, %dma_start3A_77] : memref<100000x128xf32, #tpu.memory_space<hbm>> -> memref<100000x128xf32, #tpu.memory_space<hbm>>
    tpu.enqueue_indirect_dma source(%dma_start3A_78 : memref<100000x128xf32, #tpu.memory_space<hbm>>) target(%dma_start3A_72 : memref<128x128xf32, #tpu.memory_space<vmem>>) offsets(%dma_start3A_75 : memref<128xi32, #tpu.memory_space<vmem>>) semaphore(%arg12 : memref<!tpu.dma_semaphore, #tpu.memory_space<semaphore_mem>>)
    %dma_start3A_79 = arith.constant 2 : i32
    %dma_start3A_80 = arith.constant 2 : i32
    %dma_start3A_81 = arith.constant 0 : i32
    %dma_start3A_82 = arith.constant 0 : i32
    %dma_start3A_83 = tpu.memref_slice %arg9[%dma_start3A_80, %dma_start3A_81, %dma_start3A_82] : memref<6x128x128xf32, #tpu.memory_space<vmem>> -> memref<1x128x128xf32, #tpu.memory_space<vmem>>
    %dma_start3A_84 = tpu.memref_squeeze %dma_start3A_83 : memref<1x128x128xf32, #tpu.memory_space<vmem>> -> memref<128x128xf32, #tpu.memory_space<vmem>>
    %dma_start3A_85 = arith.constant 0 : i32
    %dma_start3A_86 = tpu.memref_slice %arg8[%dma_start3A_79, %dma_start3A_85] : memref<3x128xi32, #tpu.memory_space<vmem>> -> memref<1x128xi32, #tpu.memory_space<vmem>>
    %dma_start3A_87 = tpu.memref_squeeze %dma_start3A_86 : memref<1x128xi32, #tpu.memory_space<vmem>> -> memref<128xi32, #tpu.memory_space<vmem>>
    %dma_start3A_88 = arith.constant 0 : i32
    %dma_start3A_89 = arith.constant 0 : i32
    %dma_start3A_90 = tpu.memref_slice %arg5[%dma_start3A_88, %dma_start3A_89] : memref<100000x128xf32, #tpu.memory_space<hbm>> -> memref<100000x128xf32, #tpu.memory_space<hbm>>
    tpu.enqueue_indirect_dma source(%dma_start3A_90 : memref<100000x128xf32, #tpu.memory_space<hbm>>) target(%dma_start3A_84 : memref<128x128xf32, #tpu.memory_space<vmem>>) offsets(%dma_start3A_87 : memref<128xi32, #tpu.memory_space<vmem>>) semaphore(%arg13 : memref<!tpu.dma_semaphore, #tpu.memory_space<semaphore_mem>>)
    %dma_wait3A_91 = arith.constant 0 : i32
    %dma_wait3A_92 = arith.constant 0 : i32
    %dma_wait3A_93 = arith.constant 0 : i32
    %dma_wait3A_94 = arith.constant 0 : i32
    %dma_wait3A_95 = tpu.memref_slice %arg9[%dma_wait3A_92, %dma_wait3A_93, %dma_wait3A_94] : memref<6x128x128xf32, #tpu.memory_space<vmem>> -> memref<1x128x128xf32, #tpu.memory_space<vmem>>
    %dma_wait3A_96 = tpu.memref_squeeze %dma_wait3A_95 : memref<1x128x128xf32, #tpu.memory_space<vmem>> -> memref<128x128xf32, #tpu.memory_space<vmem>>
    %dma_wait3A_97 = arith.constant 0 : i32
    %dma_wait3A_98 = tpu.memref_slice %arg8[%dma_wait3A_91, %dma_wait3A_97] : memref<3x128xi32, #tpu.memory_space<vmem>> -> memref<1x128xi32, #tpu.memory_space<vmem>>
    %dma_wait3A_99 = tpu.memref_squeeze %dma_wait3A_98 : memref<1x128xi32, #tpu.memory_space<vmem>> -> memref<128xi32, #tpu.memory_space<vmem>>
    %dma_wait3A_100 = arith.constant 0 : i32
    %dma_wait3A_101 = arith.constant 0 : i32
    %dma_wait3A_102 = tpu.memref_slice %arg5[%dma_wait3A_100, %dma_wait3A_101] : memref<100000x128xf32, #tpu.memory_space<hbm>> -> memref<100000x128xf32, #tpu.memory_space<hbm>>
    tpu.wait_indirect_dma semaphore(%arg11 : memref<!tpu.dma_semaphore, #tpu.memory_space<semaphore_mem>>) src(%dma_wait3A_102 : memref<100000x128xf32, #tpu.memory_space<hbm>>) dst(%dma_wait3A_96 : memref<128x128xf32, #tpu.memory_space<vmem>>)
    %add3A_103 = arith.constant 0 : i32
    %add3A_104 = arith.addi %add3A_103, %mul3A_2 : i32
    %dma_start3A_105 = arith.constant 0 : i32
    %dma_start3A_106 = arith.constant 0 : i32
    %dma_start3A_107 = arith.constant 0 : i32
    %dma_start3A_108 = tpu.memref_slice %arg9[%dma_start3A_105, %dma_start3A_106, %dma_start3A_107] : memref<6x128x128xf32, #tpu.memory_space<vmem>> -> memref<1x128x128xf32, #tpu.memory_space<vmem>>
    %dma_start3A_109 = tpu.memref_squeeze %dma_start3A_108 : memref<1x128x128xf32, #tpu.memory_space<vmem>> -> memref<128x128xf32, #tpu.memory_space<vmem>>
    %dma_start3A_110 = arith.constant 0 : i32
    %dma_start3A_111 = tpu.memref_slice %arg7[%add3A_104, %dma_start3A_110] : memref<12288x128xf32, #tpu.memory_space<hbm>> -> memref<128x128xf32, #tpu.memory_space<hbm>>
    %dma_start3A_112 = arith.constant 0 : i32
    %dma_start3A_113 = tpu.memref_slice %arg7[%add3A_104, %dma_start3A_112] : memref<12288x128xf32, #tpu.memory_space<hbm>> -> memref<128x128xf32, #tpu.memory_space<hbm>>
    %dma_start3A_114 = arith.constant 0 : i32
    %dma_start3A_115 = arith.constant 0 : i32
    %dma_start3A_116 = tpu.memref_slice %arg9[%dma_start3A_105, %dma_start3A_114, %dma_start3A_115] : memref<6x128x128xf32, #tpu.memory_space<vmem>> -> memref<1x128x128xf32, #tpu.memory_space<vmem>>
    %dma_start3A_117 = tpu.memref_squeeze %dma_start3A_116 : memref<1x128x128xf32, #tpu.memory_space<vmem>> -> memref<128x128xf32, #tpu.memory_space<vmem>>
    tpu.enqueue_dma source(%dma_start3A_117 : memref<128x128xf32, #tpu.memory_space<vmem>>) target(%dma_start3A_113 : memref<128x128xf32, #tpu.memory_space<hbm>>) target_semaphore(%arg17 : memref<!tpu.dma_semaphore, #tpu.memory_space<semaphore_mem>>)
    %dma_wait3A_118 = arith.constant 1 : i32
    %dma_wait3A_119 = arith.constant 1 : i32
    %dma_wait3A_120 = arith.constant 0 : i32
    %dma_wait3A_121 = arith.constant 0 : i32
    %dma_wait3A_122 = tpu.memref_slice %arg9[%dma_wait3A_119, %dma_wait3A_120, %dma_wait3A_121] : memref<6x128x128xf32, #tpu.memory_space<vmem>> -> memref<1x128x128xf32, #tpu.memory_space<vmem>>
    %dma_wait3A_123 = tpu.memref_squeeze %dma_wait3A_122 : memref<1x128x128xf32, #tpu.memory_space<vmem>> -> memref<128x128xf32, #tpu.memory_space<vmem>>
    %dma_wait3A_124 = arith.constant 0 : i32
    %dma_wait3A_125 = tpu.memref_slice %arg8[%dma_wait3A_118, %dma_wait3A_124] : memref<3x128xi32, #tpu.memory_space<vmem>> -> memref<1x128xi32, #tpu.memory_space<vmem>>
    %dma_wait3A_126 = tpu.memref_squeeze %dma_wait3A_125 : memref<1x128xi32, #tpu.memory_space<vmem>> -> memref<128xi32, #tpu.memory_space<vmem>>
    %dma_wait3A_127 = arith.constant 0 : i32
    %dma_wait3A_128 = arith.constant 0 : i32
    %dma_wait3A_129 = tpu.memref_slice %arg5[%dma_wait3A_127, %dma_wait3A_128] : memref<100000x128xf32, #tpu.memory_space<hbm>> -> memref<100000x128xf32, #tpu.memory_space<hbm>>
    tpu.wait_indirect_dma semaphore(%arg12 : memref<!tpu.dma_semaphore, #tpu.memory_space<semaphore_mem>>) src(%dma_wait3A_129 : memref<100000x128xf32, #tpu.memory_space<hbm>>) dst(%dma_wait3A_123 : memref<128x128xf32, #tpu.memory_space<vmem>>)
    %add3A_130 = arith.constant 4096 : i32
    %add3A_131 = arith.addi %add3A_130, %mul3A_2 : i32
    %dma_start3A_132 = arith.constant 1 : i32
    %dma_start3A_133 = arith.constant 0 : i32
    %dma_start3A_134 = arith.constant 0 : i32
    %dma_start3A_135 = tpu.memref_slice %arg9[%dma_start3A_132, %dma_start3A_133, %dma_start3A_134] : memref<6x128x128xf32, #tpu.memory_space<vmem>> -> memref<1x128x128xf32, #tpu.memory_space<vmem>>
    %dma_start3A_136 = tpu.memref_squeeze %dma_start3A_135 : memref<1x128x128xf32, #tpu.memory_space<vmem>> -> memref<128x128xf32, #tpu.memory_space<vmem>>
    %dma_start3A_137 = arith.constant 0 : i32
    %dma_start3A_138 = tpu.memref_slice %arg7[%add3A_131, %dma_start3A_137] : memref<12288x128xf32, #tpu.memory_space<hbm>> -> memref<128x128xf32, #tpu.memory_space<hbm>>
    %dma_start3A_139 = arith.constant 0 : i32
    %dma_start3A_140 = tpu.memref_slice %arg7[%add3A_131, %dma_start3A_139] : memref<12288x128xf32, #tpu.memory_space<hbm>> -> memref<128x128xf32, #tpu.memory_space<hbm>>
    %dma_start3A_141 = arith.constant 0 : i32
    %dma_start3A_142 = arith.constant 0 : i32
    %dma_start3A_143 = tpu.memref_slice %arg9[%dma_start3A_132, %dma_start3A_141, %dma_start3A_142] : memref<6x128x128xf32, #tpu.memory_space<vmem>> -> memref<1x128x128xf32, #tpu.memory_space<vmem>>
    %dma_start3A_144 = tpu.memref_squeeze %dma_start3A_143 : memref<1x128x128xf32, #tpu.memory_space<vmem>> -> memref<128x128xf32, #tpu.memory_space<vmem>>
    tpu.enqueue_dma source(%dma_start3A_144 : memref<128x128xf32, #tpu.memory_space<vmem>>) target(%dma_start3A_140 : memref<128x128xf32, #tpu.memory_space<hbm>>) target_semaphore(%arg18 : memref<!tpu.dma_semaphore, #tpu.memory_space<semaphore_mem>>)
    %dma_wait3A_145 = arith.constant 2 : i32
    %dma_wait3A_146 = arith.constant 2 : i32
    %dma_wait3A_147 = arith.constant 0 : i32
    %dma_wait3A_148 = arith.constant 0 : i32
    %dma_wait3A_149 = tpu.memref_slice %arg9[%dma_wait3A_146, %dma_wait3A_147, %dma_wait3A_148] : memref<6x128x128xf32, #tpu.memory_space<vmem>> -> memref<1x128x128xf32, #tpu.memory_space<vmem>>
    %dma_wait3A_150 = tpu.memref_squeeze %dma_wait3A_149 : memref<1x128x128xf32, #tpu.memory_space<vmem>> -> memref<128x128xf32, #tpu.memory_space<vmem>>
    %dma_wait3A_151 = arith.constant 0 : i32
    %dma_wait3A_152 = tpu.memref_slice %arg8[%dma_wait3A_145, %dma_wait3A_151] : memref<3x128xi32, #tpu.memory_space<vmem>> -> memref<1x128xi32, #tpu.memory_space<vmem>>
    %dma_wait3A_153 = tpu.memref_squeeze %dma_wait3A_152 : memref<1x128xi32, #tpu.memory_space<vmem>> -> memref<128xi32, #tpu.memory_space<vmem>>
    %dma_wait3A_154 = arith.constant 0 : i32
    %dma_wait3A_155 = arith.constant 0 : i32
    %dma_wait3A_156 = tpu.memref_slice %arg5[%dma_wait3A_154, %dma_wait3A_155] : memref<100000x128xf32, #tpu.memory_space<hbm>> -> memref<100000x128xf32, #tpu.memory_space<hbm>>
    tpu.wait_indirect_dma semaphore(%arg13 : memref<!tpu.dma_semaphore, #tpu.memory_space<semaphore_mem>>) src(%dma_wait3A_156 : memref<100000x128xf32, #tpu.memory_space<hbm>>) dst(%dma_wait3A_150 : memref<128x128xf32, #tpu.memory_space<vmem>>)
    %add3A_157 = arith.constant 8192 : i32
    %add3A_158 = arith.addi %add3A_157, %mul3A_2 : i32
    %dma_start3A_159 = arith.constant 2 : i32
    %dma_start3A_160 = arith.constant 0 : i32
    %dma_start3A_161 = arith.constant 0 : i32
    %dma_start3A_162 = tpu.memref_slice %arg9[%dma_start3A_159, %dma_start3A_160, %dma_start3A_161] : memref<6x128x128xf32, #tpu.memory_space<vmem>> -> memref<1x128x128xf32, #tpu.memory_space<vmem>>
    %dma_start3A_163 = tpu.memref_squeeze %dma_start3A_162 : memref<1x128x128xf32, #tpu.memory_space<vmem>> -> memref<128x128xf32, #tpu.memory_space<vmem>>
    %dma_start3A_164 = arith.constant 0 : i32
    %dma_start3A_165 = tpu.memref_slice %arg7[%add3A_158, %dma_start3A_164] : memref<12288x128xf32, #tpu.memory_space<hbm>> -> memref<128x128xf32, #tpu.memory_space<hbm>>
    %dma_start3A_166 = arith.constant 0 : i32
    %dma_start3A_167 = tpu.memref_slice %arg7[%add3A_158, %dma_start3A_166] : memref<12288x128xf32, #tpu.memory_space<hbm>> -> memref<128x128xf32, #tpu.memory_space<hbm>>
    %dma_start3A_168 = arith.constant 0 : i32
    %dma_start3A_169 = arith.constant 0 : i32
    %dma_start3A_170 = tpu.memref_slice %arg9[%dma_start3A_159, %dma_start3A_168, %dma_start3A_169] : memref<6x128x128xf32, #tpu.memory_space<vmem>> -> memref<1x128x128xf32, #tpu.memory_space<vmem>>
    %dma_start3A_171 = tpu.memref_squeeze %dma_start3A_170 : memref<1x128x128xf32, #tpu.memory_space<vmem>> -> memref<128x128xf32, #tpu.memory_space<vmem>>
    tpu.enqueue_dma source(%dma_start3A_171 : memref<128x128xf32, #tpu.memory_space<vmem>>) target(%dma_start3A_167 : memref<128x128xf32, #tpu.memory_space<hbm>>) target_semaphore(%arg19 : memref<!tpu.dma_semaphore, #tpu.memory_space<semaphore_mem>>)
    %dma_wait3A_172 = arith.constant 0 : i32
    %dma_wait3A_173 = arith.constant 0 : i32
    %dma_wait3A_174 = arith.constant 0 : i32
    %dma_wait3A_175 = tpu.memref_slice %arg9[%dma_wait3A_172, %dma_wait3A_173, %dma_wait3A_174] : memref<6x128x128xf32, #tpu.memory_space<vmem>> -> memref<1x128x128xf32, #tpu.memory_space<vmem>>
    %dma_wait3A_176 = tpu.memref_squeeze %dma_wait3A_175 : memref<1x128x128xf32, #tpu.memory_space<vmem>> -> memref<128x128xf32, #tpu.memory_space<vmem>>
    %dma_wait3A_177 = arith.constant 0 : i32
    %dma_wait3A_178 = tpu.memref_slice %arg7[%add3A_104, %dma_wait3A_177] : memref<12288x128xf32, #tpu.memory_space<hbm>> -> memref<128x128xf32, #tpu.memory_space<hbm>>
    %dma_wait3A_179 = arith.constant 0 : i32
    %dma_wait3A_180 = tpu.memref_slice %arg7[%add3A_104, %dma_wait3A_179] : memref<12288x128xf32, #tpu.memory_space<hbm>> -> memref<128x128xf32, #tpu.memory_space<hbm>>
    %dma_wait3A_181 = arith.constant 0 : i32
    %dma_wait3A_182 = arith.constant 0 : i32
    %dma_wait3A_183 = tpu.memref_slice %arg9[%dma_wait3A_172, %dma_wait3A_181, %dma_wait3A_182] : memref<6x128x128xf32, #tpu.memory_space<vmem>> -> memref<1x128x128xf32, #tpu.memory_space<vmem>>
    %dma_wait3A_184 = tpu.memref_squeeze %dma_wait3A_183 : memref<1x128x128xf32, #tpu.memory_space<vmem>> -> memref<128x128xf32, #tpu.memory_space<vmem>>
    tpu.wait_dma2 semaphore(%arg17 : memref<!tpu.dma_semaphore, #tpu.memory_space<semaphore_mem>>) src(%dma_wait3A_184 : memref<128x128xf32, #tpu.memory_space<vmem>>) dst(%dma_wait3A_180 : memref<128x128xf32, #tpu.memory_space<hbm>>)
    %dma_wait3A_185 = arith.constant 1 : i32
    %dma_wait3A_186 = arith.constant 0 : i32
    %dma_wait3A_187 = arith.constant 0 : i32
    %dma_wait3A_188 = tpu.memref_slice %arg9[%dma_wait3A_185, %dma_wait3A_186, %dma_wait3A_187] : memref<6x128x128xf32, #tpu.memory_space<vmem>> -> memref<1x128x128xf32, #tpu.memory_space<vmem>>
    %dma_wait3A_189 = tpu.memref_squeeze %dma_wait3A_188 : memref<1x128x128xf32, #tpu.memory_space<vmem>> -> memref<128x128xf32, #tpu.memory_space<vmem>>
    %dma_wait3A_190 = arith.constant 0 : i32
    %dma_wait3A_191 = tpu.memref_slice %arg7[%add3A_131, %dma_wait3A_190] : memref<12288x128xf32, #tpu.memory_space<hbm>> -> memref<128x128xf32, #tpu.memory_space<hbm>>
    %dma_wait3A_192 = arith.constant 0 : i32
    %dma_wait3A_193 = tpu.memref_slice %arg7[%add3A_131, %dma_wait3A_192] : memref<12288x128xf32, #tpu.memory_space<hbm>> -> memref<128x128xf32, #tpu.memory_space<hbm>>
    %dma_wait3A_194 = arith.constant 0 : i32
    %dma_wait3A_195 = arith.constant 0 : i32
    %dma_wait3A_196 = tpu.memref_slice %arg9[%dma_wait3A_185, %dma_wait3A_194, %dma_wait3A_195] : memref<6x128x128xf32, #tpu.memory_space<vmem>> -> memref<1x128x128xf32, #tpu.memory_space<vmem>>
    %dma_wait3A_197 = tpu.memref_squeeze %dma_wait3A_196 : memref<1x128x128xf32, #tpu.memory_space<vmem>> -> memref<128x128xf32, #tpu.memory_space<vmem>>
    tpu.wait_dma2 semaphore(%arg18 : memref<!tpu.dma_semaphore, #tpu.memory_space<semaphore_mem>>) src(%dma_wait3A_197 : memref<128x128xf32, #tpu.memory_space<vmem>>) dst(%dma_wait3A_193 : memref<128x128xf32, #tpu.memory_space<hbm>>)
    %dma_wait3A_198 = arith.constant 2 : i32
    %dma_wait3A_199 = arith.constant 0 : i32
    %dma_wait3A_200 = arith.constant 0 : i32
    %dma_wait3A_201 = tpu.memref_slice %arg9[%dma_wait3A_198, %dma_wait3A_199, %dma_wait3A_200] : memref<6x128x128xf32, #tpu.memory_space<vmem>> -> memref<1x128x128xf32, #tpu.memory_space<vmem>>
    %dma_wait3A_202 = tpu.memref_squeeze %dma_wait3A_201 : memref<1x128x128xf32, #tpu.memory_space<vmem>> -> memref<128x128xf32, #tpu.memory_space<vmem>>
    %dma_wait3A_203 = arith.constant 0 : i32
    %dma_wait3A_204 = tpu.memref_slice %arg7[%add3A_158, %dma_wait3A_203] : memref<12288x128xf32, #tpu.memory_space<hbm>> -> memref<128x128xf32, #tpu.memory_space<hbm>>
    %dma_wait3A_205 = arith.constant 0 : i32
    %dma_wait3A_206 = tpu.memref_slice %arg7[%add3A_158, %dma_wait3A_205] : memref<12288x128xf32, #tpu.memory_space<hbm>> -> memref<128x128xf32, #tpu.memory_space<hbm>>
    %dma_wait3A_207 = arith.constant 0 : i32
    %dma_wait3A_208 = arith.constant 0 : i32
    %dma_wait3A_209 = tpu.memref_slice %arg9[%dma_wait3A_198, %dma_wait3A_207, %dma_wait3A_208] : memref<6x128x128xf32, #tpu.memory_space<vmem>> -> memref<1x128x128xf32, #tpu.memory_space<vmem>>
    %dma_wait3A_210 = tpu.memref_squeeze %dma_wait3A_209 : memref<1x128x128xf32, #tpu.memory_space<vmem>> -> memref<128x128xf32, #tpu.memory_space<vmem>>
    tpu.wait_dma2 semaphore(%arg19 : memref<!tpu.dma_semaphore, #tpu.memory_space<semaphore_mem>>) src(%dma_wait3A_210 : memref<128x128xf32, #tpu.memory_space<vmem>>) dst(%dma_wait3A_206 : memref<128x128xf32, #tpu.memory_space<hbm>>)
    return
  }
}

#map = affine_map<(d0, d1) -> (0)>
#map1 = affine_map<(d0, d1) -> (0, 0)>
module attributes {stable_mosaic.version = 14 : i64} {
  func.func @_sc_gather(%arg0: i32, %arg1: i32, %arg2: memref<4096xi32, #tpu.memory_space<hbm>>, %arg3: memref<4096xi32, #tpu.memory_space<hbm>>, %arg4: memref<4096xi32, #tpu.memory_space<hbm>>, %arg5: memref<4096xi32, #tpu.memory_space<hbm>>, %arg6: memref<4096xi32, #tpu.memory_space<hbm>>, %arg7: memref<4096xi32, #tpu.memory_space<hbm>>, %arg8: memref<100000x128xf32, #tpu.memory_space<hbm>>, %arg9: memref<1000x128xf32, #tpu.memory_space<hbm>>, %arg10: memref<24576x128xf32, #tpu.memory_space<hbm>>, %arg11: memref<6x128xi32, #tpu.memory_space<vmem>>, %arg12: memref<6x128x128xf32, #tpu.memory_space<vmem>>, %arg13: memref<!tpu.dma_semaphore, #tpu.memory_space<semaphore_mem>>, %arg14: memref<!tpu.dma_semaphore, #tpu.memory_space<semaphore_mem>>, %arg15: memref<!tpu.dma_semaphore, #tpu.memory_space<semaphore_mem>>, %arg16: memref<!tpu.dma_semaphore, #tpu.memory_space<semaphore_mem>>, %arg17: memref<!tpu.dma_semaphore, #tpu.memory_space<semaphore_mem>>, %arg18: memref<!tpu.dma_semaphore, #tpu.memory_space<semaphore_mem>>, %arg19: memref<!tpu.dma_semaphore, #tpu.memory_space<semaphore_mem>>, %arg20: memref<!tpu.dma_semaphore, #tpu.memory_space<semaphore_mem>>, %arg21: memref<!tpu.dma_semaphore, #tpu.memory_space<semaphore_mem>>, %arg22: memref<!tpu.dma_semaphore, #tpu.memory_space<semaphore_mem>>, %arg23: memref<!tpu.dma_semaphore, #tpu.memory_space<semaphore_mem>>, %arg24: memref<!tpu.dma_semaphore, #tpu.memory_space<semaphore_mem>>, %arg25: memref<!tpu.dma_semaphore, #tpu.memory_space<semaphore_mem>>) attributes {dimension_semantics = [#tpu.dimension_semantics<core_parallel>, #tpu.dimension_semantics<subcore_parallel>], iteration_bounds = array<i64: 2, 16>, scalar_prefetch = 0 : i64, scratch_operands = 15 : i64, tpu.core_type = #tpu.core_type<sc_vector_subcore>, window_params = [{transform_indices = #map}, {transform_indices = #map}, {transform_indices = #map}, {transform_indices = #map}, {transform_indices = #map}, {transform_indices = #map}, {transform_indices = #map1}, {transform_indices = #map1}, {transform_indices = #map1}]} {
    %mul3A = arith.constant 2 : i32
    %mul3A_0 = arith.muli %arg1, %mul3A : i32
    %add3A = arith.addi %mul3A_0, %arg0 : i32
    %mul3A_1 = arith.constant 128 : i32
    %mul3A_2 = arith.muli %add3A, %mul3A_1 : i32
    %dma_start3A = arith.constant 0 : i32
    %dma_start3A_3 = arith.constant 0 : i32
    %dma_start3A_4 = tpu.memref_slice %arg11[%dma_start3A, %dma_start3A_3] : memref<6x128xi32, #tpu.memory_space<vmem>> -> memref<1x128xi32, #tpu.memory_space<vmem>>
    %dma_start3A_5 = tpu.memref_squeeze %dma_start3A_4 : memref<1x128xi32, #tpu.memory_space<vmem>> -> memref<128xi32, #tpu.memory_space<vmem>>
    %dma_start3A_6 = tpu.memref_slice %arg2[%mul3A_2] : memref<4096xi32, #tpu.memory_space<hbm>> -> memref<128xi32, #tpu.memory_space<hbm>>
    %dma_start3A_7 = arith.constant 0 : i32
    %dma_start3A_8 = tpu.memref_slice %arg11[%dma_start3A, %dma_start3A_7] : memref<6x128xi32, #tpu.memory_space<vmem>> -> memref<1x128xi32, #tpu.memory_space<vmem>>
    %dma_start3A_9 = tpu.memref_squeeze %dma_start3A_8 : memref<1x128xi32, #tpu.memory_space<vmem>> -> memref<128xi32, #tpu.memory_space<vmem>>
    %dma_start3A_10 = tpu.memref_slice %arg2[%mul3A_2] : memref<4096xi32, #tpu.memory_space<hbm>> -> memref<128xi32, #tpu.memory_space<hbm>>
    tpu.enqueue_dma source(%dma_start3A_10 : memref<128xi32, #tpu.memory_space<hbm>>) target(%dma_start3A_9 : memref<128xi32, #tpu.memory_space<vmem>>) target_semaphore(%arg13 : memref<!tpu.dma_semaphore, #tpu.memory_space<semaphore_mem>>)
    %dma_start3A_11 = arith.constant 1 : i32
    %dma_start3A_12 = arith.constant 0 : i32
    %dma_start3A_13 = tpu.memref_slice %arg11[%dma_start3A_11, %dma_start3A_12] : memref<6x128xi32, #tpu.memory_space<vmem>> -> memref<1x128xi32, #tpu.memory_space<vmem>>
    %dma_start3A_14 = tpu.memref_squeeze %dma_start3A_13 : memref<1x128xi32, #tpu.memory_space<vmem>> -> memref<128xi32, #tpu.memory_space<vmem>>
    %dma_start3A_15 = tpu.memref_slice %arg3[%mul3A_2] : memref<4096xi32, #tpu.memory_space<hbm>> -> memref<128xi32, #tpu.memory_space<hbm>>
    %dma_start3A_16 = arith.constant 0 : i32
    %dma_start3A_17 = tpu.memref_slice %arg11[%dma_start3A_11, %dma_start3A_16] : memref<6x128xi32, #tpu.memory_space<vmem>> -> memref<1x128xi32, #tpu.memory_space<vmem>>
    %dma_start3A_18 = tpu.memref_squeeze %dma_start3A_17 : memref<1x128xi32, #tpu.memory_space<vmem>> -> memref<128xi32, #tpu.memory_space<vmem>>
    %dma_start3A_19 = tpu.memref_slice %arg3[%mul3A_2] : memref<4096xi32, #tpu.memory_space<hbm>> -> memref<128xi32, #tpu.memory_space<hbm>>
    tpu.enqueue_dma source(%dma_start3A_19 : memref<128xi32, #tpu.memory_space<hbm>>) target(%dma_start3A_18 : memref<128xi32, #tpu.memory_space<vmem>>) target_semaphore(%arg13 : memref<!tpu.dma_semaphore, #tpu.memory_space<semaphore_mem>>)
    %dma_start3A_20 = arith.constant 2 : i32
    %dma_start3A_21 = arith.constant 0 : i32
    %dma_start3A_22 = tpu.memref_slice %arg11[%dma_start3A_20, %dma_start3A_21] : memref<6x128xi32, #tpu.memory_space<vmem>> -> memref<1x128xi32, #tpu.memory_space<vmem>>
    %dma_start3A_23 = tpu.memref_squeeze %dma_start3A_22 : memref<1x128xi32, #tpu.memory_space<vmem>> -> memref<128xi32, #tpu.memory_space<vmem>>
    %dma_start3A_24 = tpu.memref_slice %arg4[%mul3A_2] : memref<4096xi32, #tpu.memory_space<hbm>> -> memref<128xi32, #tpu.memory_space<hbm>>
    %dma_start3A_25 = arith.constant 0 : i32
    %dma_start3A_26 = tpu.memref_slice %arg11[%dma_start3A_20, %dma_start3A_25] : memref<6x128xi32, #tpu.memory_space<vmem>> -> memref<1x128xi32, #tpu.memory_space<vmem>>
    %dma_start3A_27 = tpu.memref_squeeze %dma_start3A_26 : memref<1x128xi32, #tpu.memory_space<vmem>> -> memref<128xi32, #tpu.memory_space<vmem>>
    %dma_start3A_28 = tpu.memref_slice %arg4[%mul3A_2] : memref<4096xi32, #tpu.memory_space<hbm>> -> memref<128xi32, #tpu.memory_space<hbm>>
    tpu.enqueue_dma source(%dma_start3A_28 : memref<128xi32, #tpu.memory_space<hbm>>) target(%dma_start3A_27 : memref<128xi32, #tpu.memory_space<vmem>>) target_semaphore(%arg13 : memref<!tpu.dma_semaphore, #tpu.memory_space<semaphore_mem>>)
    %dma_start3A_29 = arith.constant 3 : i32
    %dma_start3A_30 = arith.constant 0 : i32
    %dma_start3A_31 = tpu.memref_slice %arg11[%dma_start3A_29, %dma_start3A_30] : memref<6x128xi32, #tpu.memory_space<vmem>> -> memref<1x128xi32, #tpu.memory_space<vmem>>
    %dma_start3A_32 = tpu.memref_squeeze %dma_start3A_31 : memref<1x128xi32, #tpu.memory_space<vmem>> -> memref<128xi32, #tpu.memory_space<vmem>>
    %dma_start3A_33 = tpu.memref_slice %arg5[%mul3A_2] : memref<4096xi32, #tpu.memory_space<hbm>> -> memref<128xi32, #tpu.memory_space<hbm>>
    %dma_start3A_34 = arith.constant 0 : i32
    %dma_start3A_35 = tpu.memref_slice %arg11[%dma_start3A_29, %dma_start3A_34] : memref<6x128xi32, #tpu.memory_space<vmem>> -> memref<1x128xi32, #tpu.memory_space<vmem>>
    %dma_start3A_36 = tpu.memref_squeeze %dma_start3A_35 : memref<1x128xi32, #tpu.memory_space<vmem>> -> memref<128xi32, #tpu.memory_space<vmem>>
    %dma_start3A_37 = tpu.memref_slice %arg5[%mul3A_2] : memref<4096xi32, #tpu.memory_space<hbm>> -> memref<128xi32, #tpu.memory_space<hbm>>
    tpu.enqueue_dma source(%dma_start3A_37 : memref<128xi32, #tpu.memory_space<hbm>>) target(%dma_start3A_36 : memref<128xi32, #tpu.memory_space<vmem>>) target_semaphore(%arg13 : memref<!tpu.dma_semaphore, #tpu.memory_space<semaphore_mem>>)
    %dma_start3A_38 = arith.constant 4 : i32
    %dma_start3A_39 = arith.constant 0 : i32
    %dma_start3A_40 = tpu.memref_slice %arg11[%dma_start3A_38, %dma_start3A_39] : memref<6x128xi32, #tpu.memory_space<vmem>> -> memref<1x128xi32, #tpu.memory_space<vmem>>
    %dma_start3A_41 = tpu.memref_squeeze %dma_start3A_40 : memref<1x128xi32, #tpu.memory_space<vmem>> -> memref<128xi32, #tpu.memory_space<vmem>>
    %dma_start3A_42 = tpu.memref_slice %arg6[%mul3A_2] : memref<4096xi32, #tpu.memory_space<hbm>> -> memref<128xi32, #tpu.memory_space<hbm>>
    %dma_start3A_43 = arith.constant 0 : i32
    %dma_start3A_44 = tpu.memref_slice %arg11[%dma_start3A_38, %dma_start3A_43] : memref<6x128xi32, #tpu.memory_space<vmem>> -> memref<1x128xi32, #tpu.memory_space<vmem>>
    %dma_start3A_45 = tpu.memref_squeeze %dma_start3A_44 : memref<1x128xi32, #tpu.memory_space<vmem>> -> memref<128xi32, #tpu.memory_space<vmem>>
    %dma_start3A_46 = tpu.memref_slice %arg6[%mul3A_2] : memref<4096xi32, #tpu.memory_space<hbm>> -> memref<128xi32, #tpu.memory_space<hbm>>
    tpu.enqueue_dma source(%dma_start3A_46 : memref<128xi32, #tpu.memory_space<hbm>>) target(%dma_start3A_45 : memref<128xi32, #tpu.memory_space<vmem>>) target_semaphore(%arg13 : memref<!tpu.dma_semaphore, #tpu.memory_space<semaphore_mem>>)
    %dma_start3A_47 = arith.constant 5 : i32
    %dma_start3A_48 = arith.constant 0 : i32
    %dma_start3A_49 = tpu.memref_slice %arg11[%dma_start3A_47, %dma_start3A_48] : memref<6x128xi32, #tpu.memory_space<vmem>> -> memref<1x128xi32, #tpu.memory_space<vmem>>
    %dma_start3A_50 = tpu.memref_squeeze %dma_start3A_49 : memref<1x128xi32, #tpu.memory_space<vmem>> -> memref<128xi32, #tpu.memory_space<vmem>>
    %dma_start3A_51 = tpu.memref_slice %arg7[%mul3A_2] : memref<4096xi32, #tpu.memory_space<hbm>> -> memref<128xi32, #tpu.memory_space<hbm>>
    %dma_start3A_52 = arith.constant 0 : i32
    %dma_start3A_53 = tpu.memref_slice %arg11[%dma_start3A_47, %dma_start3A_52] : memref<6x128xi32, #tpu.memory_space<vmem>> -> memref<1x128xi32, #tpu.memory_space<vmem>>
    %dma_start3A_54 = tpu.memref_squeeze %dma_start3A_53 : memref<1x128xi32, #tpu.memory_space<vmem>> -> memref<128xi32, #tpu.memory_space<vmem>>
    %dma_start3A_55 = tpu.memref_slice %arg7[%mul3A_2] : memref<4096xi32, #tpu.memory_space<hbm>> -> memref<128xi32, #tpu.memory_space<hbm>>
    tpu.enqueue_dma source(%dma_start3A_55 : memref<128xi32, #tpu.memory_space<hbm>>) target(%dma_start3A_54 : memref<128xi32, #tpu.memory_space<vmem>>) target_semaphore(%arg13 : memref<!tpu.dma_semaphore, #tpu.memory_space<semaphore_mem>>)
    %dma_wait3A = arith.constant 0 : i32
    %dma_wait3A_56 = arith.constant 0 : i32
    %dma_wait3A_57 = tpu.memref_slice %arg11[%dma_wait3A, %dma_wait3A_56] : memref<6x128xi32, #tpu.memory_space<vmem>> -> memref<1x128xi32, #tpu.memory_space<vmem>>
    %dma_wait3A_58 = tpu.memref_squeeze %dma_wait3A_57 : memref<1x128xi32, #tpu.memory_space<vmem>> -> memref<128xi32, #tpu.memory_space<vmem>>
    %dma_wait3A_59 = tpu.memref_slice %arg2[%mul3A_2] : memref<4096xi32, #tpu.memory_space<hbm>> -> memref<128xi32, #tpu.memory_space<hbm>>
    %dma_wait3A_60 = arith.constant 0 : i32
    %dma_wait3A_61 = tpu.memref_slice %arg11[%dma_wait3A, %dma_wait3A_60] : memref<6x128xi32, #tpu.memory_space<vmem>> -> memref<1x128xi32, #tpu.memory_space<vmem>>
    %dma_wait3A_62 = tpu.memref_squeeze %dma_wait3A_61 : memref<1x128xi32, #tpu.memory_space<vmem>> -> memref<128xi32, #tpu.memory_space<vmem>>
    %dma_wait3A_63 = tpu.memref_slice %arg2[%mul3A_2] : memref<4096xi32, #tpu.memory_space<hbm>> -> memref<128xi32, #tpu.memory_space<hbm>>
    tpu.wait_dma2 semaphore(%arg13 : memref<!tpu.dma_semaphore, #tpu.memory_space<semaphore_mem>>) src(%dma_wait3A_63 : memref<128xi32, #tpu.memory_space<hbm>>) dst(%dma_wait3A_62 : memref<128xi32, #tpu.memory_space<vmem>>)
    %dma_wait3A_64 = arith.constant 1 : i32
    %dma_wait3A_65 = arith.constant 0 : i32
    %dma_wait3A_66 = tpu.memref_slice %arg11[%dma_wait3A_64, %dma_wait3A_65] : memref<6x128xi32, #tpu.memory_space<vmem>> -> memref<1x128xi32, #tpu.memory_space<vmem>>
    %dma_wait3A_67 = tpu.memref_squeeze %dma_wait3A_66 : memref<1x128xi32, #tpu.memory_space<vmem>> -> memref<128xi32, #tpu.memory_space<vmem>>
    %dma_wait3A_68 = tpu.memref_slice %arg3[%mul3A_2] : memref<4096xi32, #tpu.memory_space<hbm>> -> memref<128xi32, #tpu.memory_space<hbm>>
    %dma_wait3A_69 = arith.constant 0 : i32
    %dma_wait3A_70 = tpu.memref_slice %arg11[%dma_wait3A_64, %dma_wait3A_69] : memref<6x128xi32, #tpu.memory_space<vmem>> -> memref<1x128xi32, #tpu.memory_space<vmem>>
    %dma_wait3A_71 = tpu.memref_squeeze %dma_wait3A_70 : memref<1x128xi32, #tpu.memory_space<vmem>> -> memref<128xi32, #tpu.memory_space<vmem>>
    %dma_wait3A_72 = tpu.memref_slice %arg3[%mul3A_2] : memref<4096xi32, #tpu.memory_space<hbm>> -> memref<128xi32, #tpu.memory_space<hbm>>
    tpu.wait_dma2 semaphore(%arg13 : memref<!tpu.dma_semaphore, #tpu.memory_space<semaphore_mem>>) src(%dma_wait3A_72 : memref<128xi32, #tpu.memory_space<hbm>>) dst(%dma_wait3A_71 : memref<128xi32, #tpu.memory_space<vmem>>)
    %dma_wait3A_73 = arith.constant 2 : i32
    %dma_wait3A_74 = arith.constant 0 : i32
    %dma_wait3A_75 = tpu.memref_slice %arg11[%dma_wait3A_73, %dma_wait3A_74] : memref<6x128xi32, #tpu.memory_space<vmem>> -> memref<1x128xi32, #tpu.memory_space<vmem>>
    %dma_wait3A_76 = tpu.memref_squeeze %dma_wait3A_75 : memref<1x128xi32, #tpu.memory_space<vmem>> -> memref<128xi32, #tpu.memory_space<vmem>>
    %dma_wait3A_77 = tpu.memref_slice %arg4[%mul3A_2] : memref<4096xi32, #tpu.memory_space<hbm>> -> memref<128xi32, #tpu.memory_space<hbm>>
    %dma_wait3A_78 = arith.constant 0 : i32
    %dma_wait3A_79 = tpu.memref_slice %arg11[%dma_wait3A_73, %dma_wait3A_78] : memref<6x128xi32, #tpu.memory_space<vmem>> -> memref<1x128xi32, #tpu.memory_space<vmem>>
    %dma_wait3A_80 = tpu.memref_squeeze %dma_wait3A_79 : memref<1x128xi32, #tpu.memory_space<vmem>> -> memref<128xi32, #tpu.memory_space<vmem>>
    %dma_wait3A_81 = tpu.memref_slice %arg4[%mul3A_2] : memref<4096xi32, #tpu.memory_space<hbm>> -> memref<128xi32, #tpu.memory_space<hbm>>
    tpu.wait_dma2 semaphore(%arg13 : memref<!tpu.dma_semaphore, #tpu.memory_space<semaphore_mem>>) src(%dma_wait3A_81 : memref<128xi32, #tpu.memory_space<hbm>>) dst(%dma_wait3A_80 : memref<128xi32, #tpu.memory_space<vmem>>)
    %dma_wait3A_82 = arith.constant 3 : i32
    %dma_wait3A_83 = arith.constant 0 : i32
    %dma_wait3A_84 = tpu.memref_slice %arg11[%dma_wait3A_82, %dma_wait3A_83] : memref<6x128xi32, #tpu.memory_space<vmem>> -> memref<1x128xi32, #tpu.memory_space<vmem>>
    %dma_wait3A_85 = tpu.memref_squeeze %dma_wait3A_84 : memref<1x128xi32, #tpu.memory_space<vmem>> -> memref<128xi32, #tpu.memory_space<vmem>>
    %dma_wait3A_86 = tpu.memref_slice %arg5[%mul3A_2] : memref<4096xi32, #tpu.memory_space<hbm>> -> memref<128xi32, #tpu.memory_space<hbm>>
    %dma_wait3A_87 = arith.constant 0 : i32
    %dma_wait3A_88 = tpu.memref_slice %arg11[%dma_wait3A_82, %dma_wait3A_87] : memref<6x128xi32, #tpu.memory_space<vmem>> -> memref<1x128xi32, #tpu.memory_space<vmem>>
    %dma_wait3A_89 = tpu.memref_squeeze %dma_wait3A_88 : memref<1x128xi32, #tpu.memory_space<vmem>> -> memref<128xi32, #tpu.memory_space<vmem>>
    %dma_wait3A_90 = tpu.memref_slice %arg5[%mul3A_2] : memref<4096xi32, #tpu.memory_space<hbm>> -> memref<128xi32, #tpu.memory_space<hbm>>
    tpu.wait_dma2 semaphore(%arg13 : memref<!tpu.dma_semaphore, #tpu.memory_space<semaphore_mem>>) src(%dma_wait3A_90 : memref<128xi32, #tpu.memory_space<hbm>>) dst(%dma_wait3A_89 : memref<128xi32, #tpu.memory_space<vmem>>)
    %dma_wait3A_91 = arith.constant 4 : i32
    %dma_wait3A_92 = arith.constant 0 : i32
    %dma_wait3A_93 = tpu.memref_slice %arg11[%dma_wait3A_91, %dma_wait3A_92] : memref<6x128xi32, #tpu.memory_space<vmem>> -> memref<1x128xi32, #tpu.memory_space<vmem>>
    %dma_wait3A_94 = tpu.memref_squeeze %dma_wait3A_93 : memref<1x128xi32, #tpu.memory_space<vmem>> -> memref<128xi32, #tpu.memory_space<vmem>>
    %dma_wait3A_95 = tpu.memref_slice %arg6[%mul3A_2] : memref<4096xi32, #tpu.memory_space<hbm>> -> memref<128xi32, #tpu.memory_space<hbm>>
    %dma_wait3A_96 = arith.constant 0 : i32
    %dma_wait3A_97 = tpu.memref_slice %arg11[%dma_wait3A_91, %dma_wait3A_96] : memref<6x128xi32, #tpu.memory_space<vmem>> -> memref<1x128xi32, #tpu.memory_space<vmem>>
    %dma_wait3A_98 = tpu.memref_squeeze %dma_wait3A_97 : memref<1x128xi32, #tpu.memory_space<vmem>> -> memref<128xi32, #tpu.memory_space<vmem>>
    %dma_wait3A_99 = tpu.memref_slice %arg6[%mul3A_2] : memref<4096xi32, #tpu.memory_space<hbm>> -> memref<128xi32, #tpu.memory_space<hbm>>
    tpu.wait_dma2 semaphore(%arg13 : memref<!tpu.dma_semaphore, #tpu.memory_space<semaphore_mem>>) src(%dma_wait3A_99 : memref<128xi32, #tpu.memory_space<hbm>>) dst(%dma_wait3A_98 : memref<128xi32, #tpu.memory_space<vmem>>)
    %dma_wait3A_100 = arith.constant 5 : i32
    %dma_wait3A_101 = arith.constant 0 : i32
    %dma_wait3A_102 = tpu.memref_slice %arg11[%dma_wait3A_100, %dma_wait3A_101] : memref<6x128xi32, #tpu.memory_space<vmem>> -> memref<1x128xi32, #tpu.memory_space<vmem>>
    %dma_wait3A_103 = tpu.memref_squeeze %dma_wait3A_102 : memref<1x128xi32, #tpu.memory_space<vmem>> -> memref<128xi32, #tpu.memory_space<vmem>>
    %dma_wait3A_104 = tpu.memref_slice %arg7[%mul3A_2] : memref<4096xi32, #tpu.memory_space<hbm>> -> memref<128xi32, #tpu.memory_space<hbm>>
    %dma_wait3A_105 = arith.constant 0 : i32
    %dma_wait3A_106 = tpu.memref_slice %arg11[%dma_wait3A_100, %dma_wait3A_105] : memref<6x128xi32, #tpu.memory_space<vmem>> -> memref<1x128xi32, #tpu.memory_space<vmem>>
    %dma_wait3A_107 = tpu.memref_squeeze %dma_wait3A_106 : memref<1x128xi32, #tpu.memory_space<vmem>> -> memref<128xi32, #tpu.memory_space<vmem>>
    %dma_wait3A_108 = tpu.memref_slice %arg7[%mul3A_2] : memref<4096xi32, #tpu.memory_space<hbm>> -> memref<128xi32, #tpu.memory_space<hbm>>
    tpu.wait_dma2 semaphore(%arg13 : memref<!tpu.dma_semaphore, #tpu.memory_space<semaphore_mem>>) src(%dma_wait3A_108 : memref<128xi32, #tpu.memory_space<hbm>>) dst(%dma_wait3A_107 : memref<128xi32, #tpu.memory_space<vmem>>)
    %dma_start3A_109 = arith.constant 0 : i32
    %dma_start3A_110 = arith.constant 0 : i32
    %dma_start3A_111 = arith.constant 0 : i32
    %dma_start3A_112 = arith.constant 0 : i32
    %dma_start3A_113 = tpu.memref_slice %arg12[%dma_start3A_110, %dma_start3A_111, %dma_start3A_112] : memref<6x128x128xf32, #tpu.memory_space<vmem>> -> memref<1x128x128xf32, #tpu.memory_space<vmem>>
    %dma_start3A_114 = tpu.memref_squeeze %dma_start3A_113 : memref<1x128x128xf32, #tpu.memory_space<vmem>> -> memref<128x128xf32, #tpu.memory_space<vmem>>
    %dma_start3A_115 = arith.constant 0 : i32
    %dma_start3A_116 = tpu.memref_slice %arg11[%dma_start3A_109, %dma_start3A_115] : memref<6x128xi32, #tpu.memory_space<vmem>> -> memref<1x128xi32, #tpu.memory_space<vmem>>
    %dma_start3A_117 = tpu.memref_squeeze %dma_start3A_116 : memref<1x128xi32, #tpu.memory_space<vmem>> -> memref<128xi32, #tpu.memory_space<vmem>>
    %dma_start3A_118 = arith.constant 0 : i32
    %dma_start3A_119 = arith.constant 0 : i32
    %dma_start3A_120 = tpu.memref_slice %arg8[%dma_start3A_118, %dma_start3A_119] : memref<100000x128xf32, #tpu.memory_space<hbm>> -> memref<100000x128xf32, #tpu.memory_space<hbm>>
    tpu.enqueue_indirect_dma source(%dma_start3A_120 : memref<100000x128xf32, #tpu.memory_space<hbm>>) target(%dma_start3A_114 : memref<128x128xf32, #tpu.memory_space<vmem>>) offsets(%dma_start3A_117 : memref<128xi32, #tpu.memory_space<vmem>>) semaphore(%arg14 : memref<!tpu.dma_semaphore, #tpu.memory_space<semaphore_mem>>)
    %dma_start3A_121 = arith.constant 1 : i32
    %dma_start3A_122 = arith.constant 1 : i32
    %dma_start3A_123 = arith.constant 0 : i32
    %dma_start3A_124 = arith.constant 0 : i32
    %dma_start3A_125 = tpu.memref_slice %arg12[%dma_start3A_122, %dma_start3A_123, %dma_start3A_124] : memref<6x128x128xf32, #tpu.memory_space<vmem>> -> memref<1x128x128xf32, #tpu.memory_space<vmem>>
    %dma_start3A_126 = tpu.memref_squeeze %dma_start3A_125 : memref<1x128x128xf32, #tpu.memory_space<vmem>> -> memref<128x128xf32, #tpu.memory_space<vmem>>
    %dma_start3A_127 = arith.constant 0 : i32
    %dma_start3A_128 = tpu.memref_slice %arg11[%dma_start3A_121, %dma_start3A_127] : memref<6x128xi32, #tpu.memory_space<vmem>> -> memref<1x128xi32, #tpu.memory_space<vmem>>
    %dma_start3A_129 = tpu.memref_squeeze %dma_start3A_128 : memref<1x128xi32, #tpu.memory_space<vmem>> -> memref<128xi32, #tpu.memory_space<vmem>>
    %dma_start3A_130 = arith.constant 0 : i32
    %dma_start3A_131 = arith.constant 0 : i32
    %dma_start3A_132 = tpu.memref_slice %arg8[%dma_start3A_130, %dma_start3A_131] : memref<100000x128xf32, #tpu.memory_space<hbm>> -> memref<100000x128xf32, #tpu.memory_space<hbm>>
    tpu.enqueue_indirect_dma source(%dma_start3A_132 : memref<100000x128xf32, #tpu.memory_space<hbm>>) target(%dma_start3A_126 : memref<128x128xf32, #tpu.memory_space<vmem>>) offsets(%dma_start3A_129 : memref<128xi32, #tpu.memory_space<vmem>>) semaphore(%arg15 : memref<!tpu.dma_semaphore, #tpu.memory_space<semaphore_mem>>)
    %dma_start3A_133 = arith.constant 2 : i32
    %dma_start3A_134 = arith.constant 2 : i32
    %dma_start3A_135 = arith.constant 0 : i32
    %dma_start3A_136 = arith.constant 0 : i32
    %dma_start3A_137 = tpu.memref_slice %arg12[%dma_start3A_134, %dma_start3A_135, %dma_start3A_136] : memref<6x128x128xf32, #tpu.memory_space<vmem>> -> memref<1x128x128xf32, #tpu.memory_space<vmem>>
    %dma_start3A_138 = tpu.memref_squeeze %dma_start3A_137 : memref<1x128x128xf32, #tpu.memory_space<vmem>> -> memref<128x128xf32, #tpu.memory_space<vmem>>
    %dma_start3A_139 = arith.constant 0 : i32
    %dma_start3A_140 = tpu.memref_slice %arg11[%dma_start3A_133, %dma_start3A_139] : memref<6x128xi32, #tpu.memory_space<vmem>> -> memref<1x128xi32, #tpu.memory_space<vmem>>
    %dma_start3A_141 = tpu.memref_squeeze %dma_start3A_140 : memref<1x128xi32, #tpu.memory_space<vmem>> -> memref<128xi32, #tpu.memory_space<vmem>>
    %dma_start3A_142 = arith.constant 0 : i32
    %dma_start3A_143 = arith.constant 0 : i32
    %dma_start3A_144 = tpu.memref_slice %arg9[%dma_start3A_142, %dma_start3A_143] : memref<1000x128xf32, #tpu.memory_space<hbm>> -> memref<1000x128xf32, #tpu.memory_space<hbm>>
    tpu.enqueue_indirect_dma source(%dma_start3A_144 : memref<1000x128xf32, #tpu.memory_space<hbm>>) target(%dma_start3A_138 : memref<128x128xf32, #tpu.memory_space<vmem>>) offsets(%dma_start3A_141 : memref<128xi32, #tpu.memory_space<vmem>>) semaphore(%arg16 : memref<!tpu.dma_semaphore, #tpu.memory_space<semaphore_mem>>)
    %dma_start3A_145 = arith.constant 3 : i32
    %dma_start3A_146 = arith.constant 3 : i32
    %dma_start3A_147 = arith.constant 0 : i32
    %dma_start3A_148 = arith.constant 0 : i32
    %dma_start3A_149 = tpu.memref_slice %arg12[%dma_start3A_146, %dma_start3A_147, %dma_start3A_148] : memref<6x128x128xf32, #tpu.memory_space<vmem>> -> memref<1x128x128xf32, #tpu.memory_space<vmem>>
    %dma_start3A_150 = tpu.memref_squeeze %dma_start3A_149 : memref<1x128x128xf32, #tpu.memory_space<vmem>> -> memref<128x128xf32, #tpu.memory_space<vmem>>
    %dma_start3A_151 = arith.constant 0 : i32
    %dma_start3A_152 = tpu.memref_slice %arg11[%dma_start3A_145, %dma_start3A_151] : memref<6x128xi32, #tpu.memory_space<vmem>> -> memref<1x128xi32, #tpu.memory_space<vmem>>
    %dma_start3A_153 = tpu.memref_squeeze %dma_start3A_152 : memref<1x128xi32, #tpu.memory_space<vmem>> -> memref<128xi32, #tpu.memory_space<vmem>>
    %dma_start3A_154 = arith.constant 0 : i32
    %dma_start3A_155 = arith.constant 0 : i32
    %dma_start3A_156 = tpu.memref_slice %arg8[%dma_start3A_154, %dma_start3A_155] : memref<100000x128xf32, #tpu.memory_space<hbm>> -> memref<100000x128xf32, #tpu.memory_space<hbm>>
    tpu.enqueue_indirect_dma source(%dma_start3A_156 : memref<100000x128xf32, #tpu.memory_space<hbm>>) target(%dma_start3A_150 : memref<128x128xf32, #tpu.memory_space<vmem>>) offsets(%dma_start3A_153 : memref<128xi32, #tpu.memory_space<vmem>>) semaphore(%arg17 : memref<!tpu.dma_semaphore, #tpu.memory_space<semaphore_mem>>)
    %dma_start3A_157 = arith.constant 4 : i32
    %dma_start3A_158 = arith.constant 4 : i32
    %dma_start3A_159 = arith.constant 0 : i32
    %dma_start3A_160 = arith.constant 0 : i32
    %dma_start3A_161 = tpu.memref_slice %arg12[%dma_start3A_158, %dma_start3A_159, %dma_start3A_160] : memref<6x128x128xf32, #tpu.memory_space<vmem>> -> memref<1x128x128xf32, #tpu.memory_space<vmem>>
    %dma_start3A_162 = tpu.memref_squeeze %dma_start3A_161 : memref<1x128x128xf32, #tpu.memory_space<vmem>> -> memref<128x128xf32, #tpu.memory_space<vmem>>
    %dma_start3A_163 = arith.constant 0 : i32
    %dma_start3A_164 = tpu.memref_slice %arg11[%dma_start3A_157, %dma_start3A_163] : memref<6x128xi32, #tpu.memory_space<vmem>> -> memref<1x128xi32, #tpu.memory_space<vmem>>
    %dma_start3A_165 = tpu.memref_squeeze %dma_start3A_164 : memref<1x128xi32, #tpu.memory_space<vmem>> -> memref<128xi32, #tpu.memory_space<vmem>>
    %dma_start3A_166 = arith.constant 0 : i32
    %dma_start3A_167 = arith.constant 0 : i32
    %dma_start3A_168 = tpu.memref_slice %arg8[%dma_start3A_166, %dma_start3A_167] : memref<100000x128xf32, #tpu.memory_space<hbm>> -> memref<100000x128xf32, #tpu.memory_space<hbm>>
    tpu.enqueue_indirect_dma source(%dma_start3A_168 : memref<100000x128xf32, #tpu.memory_space<hbm>>) target(%dma_start3A_162 : memref<128x128xf32, #tpu.memory_space<vmem>>) offsets(%dma_start3A_165 : memref<128xi32, #tpu.memory_space<vmem>>) semaphore(%arg18 : memref<!tpu.dma_semaphore, #tpu.memory_space<semaphore_mem>>)
    %dma_start3A_169 = arith.constant 5 : i32
    %dma_start3A_170 = arith.constant 5 : i32
    %dma_start3A_171 = arith.constant 0 : i32
    %dma_start3A_172 = arith.constant 0 : i32
    %dma_start3A_173 = tpu.memref_slice %arg12[%dma_start3A_170, %dma_start3A_171, %dma_start3A_172] : memref<6x128x128xf32, #tpu.memory_space<vmem>> -> memref<1x128x128xf32, #tpu.memory_space<vmem>>
    %dma_start3A_174 = tpu.memref_squeeze %dma_start3A_173 : memref<1x128x128xf32, #tpu.memory_space<vmem>> -> memref<128x128xf32, #tpu.memory_space<vmem>>
    %dma_start3A_175 = arith.constant 0 : i32
    %dma_start3A_176 = tpu.memref_slice %arg11[%dma_start3A_169, %dma_start3A_175] : memref<6x128xi32, #tpu.memory_space<vmem>> -> memref<1x128xi32, #tpu.memory_space<vmem>>
    %dma_start3A_177 = tpu.memref_squeeze %dma_start3A_176 : memref<1x128xi32, #tpu.memory_space<vmem>> -> memref<128xi32, #tpu.memory_space<vmem>>
    %dma_start3A_178 = arith.constant 0 : i32
    %dma_start3A_179 = arith.constant 0 : i32
    %dma_start3A_180 = tpu.memref_slice %arg9[%dma_start3A_178, %dma_start3A_179] : memref<1000x128xf32, #tpu.memory_space<hbm>> -> memref<1000x128xf32, #tpu.memory_space<hbm>>
    tpu.enqueue_indirect_dma source(%dma_start3A_180 : memref<1000x128xf32, #tpu.memory_space<hbm>>) target(%dma_start3A_174 : memref<128x128xf32, #tpu.memory_space<vmem>>) offsets(%dma_start3A_177 : memref<128xi32, #tpu.memory_space<vmem>>) semaphore(%arg19 : memref<!tpu.dma_semaphore, #tpu.memory_space<semaphore_mem>>)
    %dma_wait3A_181 = arith.constant 0 : i32
    %dma_wait3A_182 = arith.constant 0 : i32
    %dma_wait3A_183 = arith.constant 0 : i32
    %dma_wait3A_184 = arith.constant 0 : i32
    %dma_wait3A_185 = tpu.memref_slice %arg12[%dma_wait3A_182, %dma_wait3A_183, %dma_wait3A_184] : memref<6x128x128xf32, #tpu.memory_space<vmem>> -> memref<1x128x128xf32, #tpu.memory_space<vmem>>
    %dma_wait3A_186 = tpu.memref_squeeze %dma_wait3A_185 : memref<1x128x128xf32, #tpu.memory_space<vmem>> -> memref<128x128xf32, #tpu.memory_space<vmem>>
    %dma_wait3A_187 = arith.constant 0 : i32
    %dma_wait3A_188 = tpu.memref_slice %arg11[%dma_wait3A_181, %dma_wait3A_187] : memref<6x128xi32, #tpu.memory_space<vmem>> -> memref<1x128xi32, #tpu.memory_space<vmem>>
    %dma_wait3A_189 = tpu.memref_squeeze %dma_wait3A_188 : memref<1x128xi32, #tpu.memory_space<vmem>> -> memref<128xi32, #tpu.memory_space<vmem>>
    %dma_wait3A_190 = arith.constant 0 : i32
    %dma_wait3A_191 = arith.constant 0 : i32
    %dma_wait3A_192 = tpu.memref_slice %arg8[%dma_wait3A_190, %dma_wait3A_191] : memref<100000x128xf32, #tpu.memory_space<hbm>> -> memref<100000x128xf32, #tpu.memory_space<hbm>>
    tpu.wait_indirect_dma semaphore(%arg14 : memref<!tpu.dma_semaphore, #tpu.memory_space<semaphore_mem>>) src(%dma_wait3A_192 : memref<100000x128xf32, #tpu.memory_space<hbm>>) dst(%dma_wait3A_186 : memref<128x128xf32, #tpu.memory_space<vmem>>)
    %add3A_193 = arith.constant 0 : i32
    %add3A_194 = arith.addi %add3A_193, %mul3A_2 : i32
    %dma_start3A_195 = arith.constant 0 : i32
    %dma_start3A_196 = arith.constant 0 : i32
    %dma_start3A_197 = arith.constant 0 : i32
    %dma_start3A_198 = tpu.memref_slice %arg12[%dma_start3A_195, %dma_start3A_196, %dma_start3A_197] : memref<6x128x128xf32, #tpu.memory_space<vmem>> -> memref<1x128x128xf32, #tpu.memory_space<vmem>>
    %dma_start3A_199 = tpu.memref_squeeze %dma_start3A_198 : memref<1x128x128xf32, #tpu.memory_space<vmem>> -> memref<128x128xf32, #tpu.memory_space<vmem>>
    %dma_start3A_200 = arith.constant 0 : i32
    %dma_start3A_201 = tpu.memref_slice %arg10[%add3A_194, %dma_start3A_200] : memref<24576x128xf32, #tpu.memory_space<hbm>> -> memref<128x128xf32, #tpu.memory_space<hbm>>
    %dma_start3A_202 = arith.constant 0 : i32
    %dma_start3A_203 = tpu.memref_slice %arg10[%add3A_194, %dma_start3A_202] : memref<24576x128xf32, #tpu.memory_space<hbm>> -> memref<128x128xf32, #tpu.memory_space<hbm>>
    %dma_start3A_204 = arith.constant 0 : i32
    %dma_start3A_205 = arith.constant 0 : i32
    %dma_start3A_206 = tpu.memref_slice %arg12[%dma_start3A_195, %dma_start3A_204, %dma_start3A_205] : memref<6x128x128xf32, #tpu.memory_space<vmem>> -> memref<1x128x128xf32, #tpu.memory_space<vmem>>
    %dma_start3A_207 = tpu.memref_squeeze %dma_start3A_206 : memref<1x128x128xf32, #tpu.memory_space<vmem>> -> memref<128x128xf32, #tpu.memory_space<vmem>>
    tpu.enqueue_dma source(%dma_start3A_207 : memref<128x128xf32, #tpu.memory_space<vmem>>) target(%dma_start3A_203 : memref<128x128xf32, #tpu.memory_space<hbm>>) target_semaphore(%arg20 : memref<!tpu.dma_semaphore, #tpu.memory_space<semaphore_mem>>)
    %dma_wait3A_208 = arith.constant 1 : i32
    %dma_wait3A_209 = arith.constant 1 : i32
    %dma_wait3A_210 = arith.constant 0 : i32
    %dma_wait3A_211 = arith.constant 0 : i32
    %dma_wait3A_212 = tpu.memref_slice %arg12[%dma_wait3A_209, %dma_wait3A_210, %dma_wait3A_211] : memref<6x128x128xf32, #tpu.memory_space<vmem>> -> memref<1x128x128xf32, #tpu.memory_space<vmem>>
    %dma_wait3A_213 = tpu.memref_squeeze %dma_wait3A_212 : memref<1x128x128xf32, #tpu.memory_space<vmem>> -> memref<128x128xf32, #tpu.memory_space<vmem>>
    %dma_wait3A_214 = arith.constant 0 : i32
    %dma_wait3A_215 = tpu.memref_slice %arg11[%dma_wait3A_208, %dma_wait3A_214] : memref<6x128xi32, #tpu.memory_space<vmem>> -> memref<1x128xi32, #tpu.memory_space<vmem>>
    %dma_wait3A_216 = tpu.memref_squeeze %dma_wait3A_215 : memref<1x128xi32, #tpu.memory_space<vmem>> -> memref<128xi32, #tpu.memory_space<vmem>>
    %dma_wait3A_217 = arith.constant 0 : i32
    %dma_wait3A_218 = arith.constant 0 : i32
    %dma_wait3A_219 = tpu.memref_slice %arg8[%dma_wait3A_217, %dma_wait3A_218] : memref<100000x128xf32, #tpu.memory_space<hbm>> -> memref<100000x128xf32, #tpu.memory_space<hbm>>
    tpu.wait_indirect_dma semaphore(%arg15 : memref<!tpu.dma_semaphore, #tpu.memory_space<semaphore_mem>>) src(%dma_wait3A_219 : memref<100000x128xf32, #tpu.memory_space<hbm>>) dst(%dma_wait3A_213 : memref<128x128xf32, #tpu.memory_space<vmem>>)
    %add3A_220 = arith.constant 4096 : i32
    %add3A_221 = arith.addi %add3A_220, %mul3A_2 : i32
    %dma_start3A_222 = arith.constant 1 : i32
    %dma_start3A_223 = arith.constant 0 : i32
    %dma_start3A_224 = arith.constant 0 : i32
    %dma_start3A_225 = tpu.memref_slice %arg12[%dma_start3A_222, %dma_start3A_223, %dma_start3A_224] : memref<6x128x128xf32, #tpu.memory_space<vmem>> -> memref<1x128x128xf32, #tpu.memory_space<vmem>>
    %dma_start3A_226 = tpu.memref_squeeze %dma_start3A_225 : memref<1x128x128xf32, #tpu.memory_space<vmem>> -> memref<128x128xf32, #tpu.memory_space<vmem>>
    %dma_start3A_227 = arith.constant 0 : i32
    %dma_start3A_228 = tpu.memref_slice %arg10[%add3A_221, %dma_start3A_227] : memref<24576x128xf32, #tpu.memory_space<hbm>> -> memref<128x128xf32, #tpu.memory_space<hbm>>
    %dma_start3A_229 = arith.constant 0 : i32
    %dma_start3A_230 = tpu.memref_slice %arg10[%add3A_221, %dma_start3A_229] : memref<24576x128xf32, #tpu.memory_space<hbm>> -> memref<128x128xf32, #tpu.memory_space<hbm>>
    %dma_start3A_231 = arith.constant 0 : i32
    %dma_start3A_232 = arith.constant 0 : i32
    %dma_start3A_233 = tpu.memref_slice %arg12[%dma_start3A_222, %dma_start3A_231, %dma_start3A_232] : memref<6x128x128xf32, #tpu.memory_space<vmem>> -> memref<1x128x128xf32, #tpu.memory_space<vmem>>
    %dma_start3A_234 = tpu.memref_squeeze %dma_start3A_233 : memref<1x128x128xf32, #tpu.memory_space<vmem>> -> memref<128x128xf32, #tpu.memory_space<vmem>>
    tpu.enqueue_dma source(%dma_start3A_234 : memref<128x128xf32, #tpu.memory_space<vmem>>) target(%dma_start3A_230 : memref<128x128xf32, #tpu.memory_space<hbm>>) target_semaphore(%arg21 : memref<!tpu.dma_semaphore, #tpu.memory_space<semaphore_mem>>)
    %dma_wait3A_235 = arith.constant 2 : i32
    %dma_wait3A_236 = arith.constant 2 : i32
    %dma_wait3A_237 = arith.constant 0 : i32
    %dma_wait3A_238 = arith.constant 0 : i32
    %dma_wait3A_239 = tpu.memref_slice %arg12[%dma_wait3A_236, %dma_wait3A_237, %dma_wait3A_238] : memref<6x128x128xf32, #tpu.memory_space<vmem>> -> memref<1x128x128xf32, #tpu.memory_space<vmem>>
    %dma_wait3A_240 = tpu.memref_squeeze %dma_wait3A_239 : memref<1x128x128xf32, #tpu.memory_space<vmem>> -> memref<128x128xf32, #tpu.memory_space<vmem>>
    %dma_wait3A_241 = arith.constant 0 : i32
    %dma_wait3A_242 = tpu.memref_slice %arg11[%dma_wait3A_235, %dma_wait3A_241] : memref<6x128xi32, #tpu.memory_space<vmem>> -> memref<1x128xi32, #tpu.memory_space<vmem>>
    %dma_wait3A_243 = tpu.memref_squeeze %dma_wait3A_242 : memref<1x128xi32, #tpu.memory_space<vmem>> -> memref<128xi32, #tpu.memory_space<vmem>>
    %dma_wait3A_244 = arith.constant 0 : i32
    %dma_wait3A_245 = arith.constant 0 : i32
    %dma_wait3A_246 = tpu.memref_slice %arg9[%dma_wait3A_244, %dma_wait3A_245] : memref<1000x128xf32, #tpu.memory_space<hbm>> -> memref<1000x128xf32, #tpu.memory_space<hbm>>
    tpu.wait_indirect_dma semaphore(%arg16 : memref<!tpu.dma_semaphore, #tpu.memory_space<semaphore_mem>>) src(%dma_wait3A_246 : memref<1000x128xf32, #tpu.memory_space<hbm>>) dst(%dma_wait3A_240 : memref<128x128xf32, #tpu.memory_space<vmem>>)
    %add3A_247 = arith.constant 8192 : i32
    %add3A_248 = arith.addi %add3A_247, %mul3A_2 : i32
    %dma_start3A_249 = arith.constant 2 : i32
    %dma_start3A_250 = arith.constant 0 : i32
    %dma_start3A_251 = arith.constant 0 : i32
    %dma_start3A_252 = tpu.memref_slice %arg12[%dma_start3A_249, %dma_start3A_250, %dma_start3A_251] : memref<6x128x128xf32, #tpu.memory_space<vmem>> -> memref<1x128x128xf32, #tpu.memory_space<vmem>>
    %dma_start3A_253 = tpu.memref_squeeze %dma_start3A_252 : memref<1x128x128xf32, #tpu.memory_space<vmem>> -> memref<128x128xf32, #tpu.memory_space<vmem>>
    %dma_start3A_254 = arith.constant 0 : i32
    %dma_start3A_255 = tpu.memref_slice %arg10[%add3A_248, %dma_start3A_254] : memref<24576x128xf32, #tpu.memory_space<hbm>> -> memref<128x128xf32, #tpu.memory_space<hbm>>
    %dma_start3A_256 = arith.constant 0 : i32
    %dma_start3A_257 = tpu.memref_slice %arg10[%add3A_248, %dma_start3A_256] : memref<24576x128xf32, #tpu.memory_space<hbm>> -> memref<128x128xf32, #tpu.memory_space<hbm>>
    %dma_start3A_258 = arith.constant 0 : i32
    %dma_start3A_259 = arith.constant 0 : i32
    %dma_start3A_260 = tpu.memref_slice %arg12[%dma_start3A_249, %dma_start3A_258, %dma_start3A_259] : memref<6x128x128xf32, #tpu.memory_space<vmem>> -> memref<1x128x128xf32, #tpu.memory_space<vmem>>
    %dma_start3A_261 = tpu.memref_squeeze %dma_start3A_260 : memref<1x128x128xf32, #tpu.memory_space<vmem>> -> memref<128x128xf32, #tpu.memory_space<vmem>>
    tpu.enqueue_dma source(%dma_start3A_261 : memref<128x128xf32, #tpu.memory_space<vmem>>) target(%dma_start3A_257 : memref<128x128xf32, #tpu.memory_space<hbm>>) target_semaphore(%arg22 : memref<!tpu.dma_semaphore, #tpu.memory_space<semaphore_mem>>)
    %dma_wait3A_262 = arith.constant 3 : i32
    %dma_wait3A_263 = arith.constant 3 : i32
    %dma_wait3A_264 = arith.constant 0 : i32
    %dma_wait3A_265 = arith.constant 0 : i32
    %dma_wait3A_266 = tpu.memref_slice %arg12[%dma_wait3A_263, %dma_wait3A_264, %dma_wait3A_265] : memref<6x128x128xf32, #tpu.memory_space<vmem>> -> memref<1x128x128xf32, #tpu.memory_space<vmem>>
    %dma_wait3A_267 = tpu.memref_squeeze %dma_wait3A_266 : memref<1x128x128xf32, #tpu.memory_space<vmem>> -> memref<128x128xf32, #tpu.memory_space<vmem>>
    %dma_wait3A_268 = arith.constant 0 : i32
    %dma_wait3A_269 = tpu.memref_slice %arg11[%dma_wait3A_262, %dma_wait3A_268] : memref<6x128xi32, #tpu.memory_space<vmem>> -> memref<1x128xi32, #tpu.memory_space<vmem>>
    %dma_wait3A_270 = tpu.memref_squeeze %dma_wait3A_269 : memref<1x128xi32, #tpu.memory_space<vmem>> -> memref<128xi32, #tpu.memory_space<vmem>>
    %dma_wait3A_271 = arith.constant 0 : i32
    %dma_wait3A_272 = arith.constant 0 : i32
    %dma_wait3A_273 = tpu.memref_slice %arg8[%dma_wait3A_271, %dma_wait3A_272] : memref<100000x128xf32, #tpu.memory_space<hbm>> -> memref<100000x128xf32, #tpu.memory_space<hbm>>
    tpu.wait_indirect_dma semaphore(%arg17 : memref<!tpu.dma_semaphore, #tpu.memory_space<semaphore_mem>>) src(%dma_wait3A_273 : memref<100000x128xf32, #tpu.memory_space<hbm>>) dst(%dma_wait3A_267 : memref<128x128xf32, #tpu.memory_space<vmem>>)
    %add3A_274 = arith.constant 12288 : i32
    %add3A_275 = arith.addi %add3A_274, %mul3A_2 : i32
    %dma_start3A_276 = arith.constant 3 : i32
    %dma_start3A_277 = arith.constant 0 : i32
    %dma_start3A_278 = arith.constant 0 : i32
    %dma_start3A_279 = tpu.memref_slice %arg12[%dma_start3A_276, %dma_start3A_277, %dma_start3A_278] : memref<6x128x128xf32, #tpu.memory_space<vmem>> -> memref<1x128x128xf32, #tpu.memory_space<vmem>>
    %dma_start3A_280 = tpu.memref_squeeze %dma_start3A_279 : memref<1x128x128xf32, #tpu.memory_space<vmem>> -> memref<128x128xf32, #tpu.memory_space<vmem>>
    %dma_start3A_281 = arith.constant 0 : i32
    %dma_start3A_282 = tpu.memref_slice %arg10[%add3A_275, %dma_start3A_281] : memref<24576x128xf32, #tpu.memory_space<hbm>> -> memref<128x128xf32, #tpu.memory_space<hbm>>
    %dma_start3A_283 = arith.constant 0 : i32
    %dma_start3A_284 = tpu.memref_slice %arg10[%add3A_275, %dma_start3A_283] : memref<24576x128xf32, #tpu.memory_space<hbm>> -> memref<128x128xf32, #tpu.memory_space<hbm>>
    %dma_start3A_285 = arith.constant 0 : i32
    %dma_start3A_286 = arith.constant 0 : i32
    %dma_start3A_287 = tpu.memref_slice %arg12[%dma_start3A_276, %dma_start3A_285, %dma_start3A_286] : memref<6x128x128xf32, #tpu.memory_space<vmem>> -> memref<1x128x128xf32, #tpu.memory_space<vmem>>
    %dma_start3A_288 = tpu.memref_squeeze %dma_start3A_287 : memref<1x128x128xf32, #tpu.memory_space<vmem>> -> memref<128x128xf32, #tpu.memory_space<vmem>>
    tpu.enqueue_dma source(%dma_start3A_288 : memref<128x128xf32, #tpu.memory_space<vmem>>) target(%dma_start3A_284 : memref<128x128xf32, #tpu.memory_space<hbm>>) target_semaphore(%arg23 : memref<!tpu.dma_semaphore, #tpu.memory_space<semaphore_mem>>)
    %dma_wait3A_289 = arith.constant 4 : i32
    %dma_wait3A_290 = arith.constant 4 : i32
    %dma_wait3A_291 = arith.constant 0 : i32
    %dma_wait3A_292 = arith.constant 0 : i32
    %dma_wait3A_293 = tpu.memref_slice %arg12[%dma_wait3A_290, %dma_wait3A_291, %dma_wait3A_292] : memref<6x128x128xf32, #tpu.memory_space<vmem>> -> memref<1x128x128xf32, #tpu.memory_space<vmem>>
    %dma_wait3A_294 = tpu.memref_squeeze %dma_wait3A_293 : memref<1x128x128xf32, #tpu.memory_space<vmem>> -> memref<128x128xf32, #tpu.memory_space<vmem>>
    %dma_wait3A_295 = arith.constant 0 : i32
    %dma_wait3A_296 = tpu.memref_slice %arg11[%dma_wait3A_289, %dma_wait3A_295] : memref<6x128xi32, #tpu.memory_space<vmem>> -> memref<1x128xi32, #tpu.memory_space<vmem>>
    %dma_wait3A_297 = tpu.memref_squeeze %dma_wait3A_296 : memref<1x128xi32, #tpu.memory_space<vmem>> -> memref<128xi32, #tpu.memory_space<vmem>>
    %dma_wait3A_298 = arith.constant 0 : i32
    %dma_wait3A_299 = arith.constant 0 : i32
    %dma_wait3A_300 = tpu.memref_slice %arg8[%dma_wait3A_298, %dma_wait3A_299] : memref<100000x128xf32, #tpu.memory_space<hbm>> -> memref<100000x128xf32, #tpu.memory_space<hbm>>
    tpu.wait_indirect_dma semaphore(%arg18 : memref<!tpu.dma_semaphore, #tpu.memory_space<semaphore_mem>>) src(%dma_wait3A_300 : memref<100000x128xf32, #tpu.memory_space<hbm>>) dst(%dma_wait3A_294 : memref<128x128xf32, #tpu.memory_space<vmem>>)
    %add3A_301 = arith.constant 16384 : i32
    %add3A_302 = arith.addi %add3A_301, %mul3A_2 : i32
    %dma_start3A_303 = arith.constant 4 : i32
    %dma_start3A_304 = arith.constant 0 : i32
    %dma_start3A_305 = arith.constant 0 : i32
    %dma_start3A_306 = tpu.memref_slice %arg12[%dma_start3A_303, %dma_start3A_304, %dma_start3A_305] : memref<6x128x128xf32, #tpu.memory_space<vmem>> -> memref<1x128x128xf32, #tpu.memory_space<vmem>>
    %dma_start3A_307 = tpu.memref_squeeze %dma_start3A_306 : memref<1x128x128xf32, #tpu.memory_space<vmem>> -> memref<128x128xf32, #tpu.memory_space<vmem>>
    %dma_start3A_308 = arith.constant 0 : i32
    %dma_start3A_309 = tpu.memref_slice %arg10[%add3A_302, %dma_start3A_308] : memref<24576x128xf32, #tpu.memory_space<hbm>> -> memref<128x128xf32, #tpu.memory_space<hbm>>
    %dma_start3A_310 = arith.constant 0 : i32
    %dma_start3A_311 = tpu.memref_slice %arg10[%add3A_302, %dma_start3A_310] : memref<24576x128xf32, #tpu.memory_space<hbm>> -> memref<128x128xf32, #tpu.memory_space<hbm>>
    %dma_start3A_312 = arith.constant 0 : i32
    %dma_start3A_313 = arith.constant 0 : i32
    %dma_start3A_314 = tpu.memref_slice %arg12[%dma_start3A_303, %dma_start3A_312, %dma_start3A_313] : memref<6x128x128xf32, #tpu.memory_space<vmem>> -> memref<1x128x128xf32, #tpu.memory_space<vmem>>
    %dma_start3A_315 = tpu.memref_squeeze %dma_start3A_314 : memref<1x128x128xf32, #tpu.memory_space<vmem>> -> memref<128x128xf32, #tpu.memory_space<vmem>>
    tpu.enqueue_dma source(%dma_start3A_315 : memref<128x128xf32, #tpu.memory_space<vmem>>) target(%dma_start3A_311 : memref<128x128xf32, #tpu.memory_space<hbm>>) target_semaphore(%arg24 : memref<!tpu.dma_semaphore, #tpu.memory_space<semaphore_mem>>)
    %dma_wait3A_316 = arith.constant 5 : i32
    %dma_wait3A_317 = arith.constant 5 : i32
    %dma_wait3A_318 = arith.constant 0 : i32
    %dma_wait3A_319 = arith.constant 0 : i32
    %dma_wait3A_320 = tpu.memref_slice %arg12[%dma_wait3A_317, %dma_wait3A_318, %dma_wait3A_319] : memref<6x128x128xf32, #tpu.memory_space<vmem>> -> memref<1x128x128xf32, #tpu.memory_space<vmem>>
    %dma_wait3A_321 = tpu.memref_squeeze %dma_wait3A_320 : memref<1x128x128xf32, #tpu.memory_space<vmem>> -> memref<128x128xf32, #tpu.memory_space<vmem>>
    %dma_wait3A_322 = arith.constant 0 : i32
    %dma_wait3A_323 = tpu.memref_slice %arg11[%dma_wait3A_316, %dma_wait3A_322] : memref<6x128xi32, #tpu.memory_space<vmem>> -> memref<1x128xi32, #tpu.memory_space<vmem>>
    %dma_wait3A_324 = tpu.memref_squeeze %dma_wait3A_323 : memref<1x128xi32, #tpu.memory_space<vmem>> -> memref<128xi32, #tpu.memory_space<vmem>>
    %dma_wait3A_325 = arith.constant 0 : i32
    %dma_wait3A_326 = arith.constant 0 : i32
    %dma_wait3A_327 = tpu.memref_slice %arg9[%dma_wait3A_325, %dma_wait3A_326] : memref<1000x128xf32, #tpu.memory_space<hbm>> -> memref<1000x128xf32, #tpu.memory_space<hbm>>
    tpu.wait_indirect_dma semaphore(%arg19 : memref<!tpu.dma_semaphore, #tpu.memory_space<semaphore_mem>>) src(%dma_wait3A_327 : memref<1000x128xf32, #tpu.memory_space<hbm>>) dst(%dma_wait3A_321 : memref<128x128xf32, #tpu.memory_space<vmem>>)
    %add3A_328 = arith.constant 20480 : i32
    %add3A_329 = arith.addi %add3A_328, %mul3A_2 : i32
    %dma_start3A_330 = arith.constant 5 : i32
    %dma_start3A_331 = arith.constant 0 : i32
    %dma_start3A_332 = arith.constant 0 : i32
    %dma_start3A_333 = tpu.memref_slice %arg12[%dma_start3A_330, %dma_start3A_331, %dma_start3A_332] : memref<6x128x128xf32, #tpu.memory_space<vmem>> -> memref<1x128x128xf32, #tpu.memory_space<vmem>>
    %dma_start3A_334 = tpu.memref_squeeze %dma_start3A_333 : memref<1x128x128xf32, #tpu.memory_space<vmem>> -> memref<128x128xf32, #tpu.memory_space<vmem>>
    %dma_start3A_335 = arith.constant 0 : i32
    %dma_start3A_336 = tpu.memref_slice %arg10[%add3A_329, %dma_start3A_335] : memref<24576x128xf32, #tpu.memory_space<hbm>> -> memref<128x128xf32, #tpu.memory_space<hbm>>
    %dma_start3A_337 = arith.constant 0 : i32
    %dma_start3A_338 = tpu.memref_slice %arg10[%add3A_329, %dma_start3A_337] : memref<24576x128xf32, #tpu.memory_space<hbm>> -> memref<128x128xf32, #tpu.memory_space<hbm>>
    %dma_start3A_339 = arith.constant 0 : i32
    %dma_start3A_340 = arith.constant 0 : i32
    %dma_start3A_341 = tpu.memref_slice %arg12[%dma_start3A_330, %dma_start3A_339, %dma_start3A_340] : memref<6x128x128xf32, #tpu.memory_space<vmem>> -> memref<1x128x128xf32, #tpu.memory_space<vmem>>
    %dma_start3A_342 = tpu.memref_squeeze %dma_start3A_341 : memref<1x128x128xf32, #tpu.memory_space<vmem>> -> memref<128x128xf32, #tpu.memory_space<vmem>>
    tpu.enqueue_dma source(%dma_start3A_342 : memref<128x128xf32, #tpu.memory_space<vmem>>) target(%dma_start3A_338 : memref<128x128xf32, #tpu.memory_space<hbm>>) target_semaphore(%arg25 : memref<!tpu.dma_semaphore, #tpu.memory_space<semaphore_mem>>)
    %dma_wait3A_343 = arith.constant 0 : i32
    %dma_wait3A_344 = arith.constant 0 : i32
    %dma_wait3A_345 = arith.constant 0 : i32
    %dma_wait3A_346 = tpu.memref_slice %arg12[%dma_wait3A_343, %dma_wait3A_344, %dma_wait3A_345] : memref<6x128x128xf32, #tpu.memory_space<vmem>> -> memref<1x128x128xf32, #tpu.memory_space<vmem>>
    %dma_wait3A_347 = tpu.memref_squeeze %dma_wait3A_346 : memref<1x128x128xf32, #tpu.memory_space<vmem>> -> memref<128x128xf32, #tpu.memory_space<vmem>>
    %dma_wait3A_348 = arith.constant 0 : i32
    %dma_wait3A_349 = tpu.memref_slice %arg10[%add3A_194, %dma_wait3A_348] : memref<24576x128xf32, #tpu.memory_space<hbm>> -> memref<128x128xf32, #tpu.memory_space<hbm>>
    %dma_wait3A_350 = arith.constant 0 : i32
    %dma_wait3A_351 = tpu.memref_slice %arg10[%add3A_194, %dma_wait3A_350] : memref<24576x128xf32, #tpu.memory_space<hbm>> -> memref<128x128xf32, #tpu.memory_space<hbm>>
    %dma_wait3A_352 = arith.constant 0 : i32
    %dma_wait3A_353 = arith.constant 0 : i32
    %dma_wait3A_354 = tpu.memref_slice %arg12[%dma_wait3A_343, %dma_wait3A_352, %dma_wait3A_353] : memref<6x128x128xf32, #tpu.memory_space<vmem>> -> memref<1x128x128xf32, #tpu.memory_space<vmem>>
    %dma_wait3A_355 = tpu.memref_squeeze %dma_wait3A_354 : memref<1x128x128xf32, #tpu.memory_space<vmem>> -> memref<128x128xf32, #tpu.memory_space<vmem>>
    tpu.wait_dma2 semaphore(%arg20 : memref<!tpu.dma_semaphore, #tpu.memory_space<semaphore_mem>>) src(%dma_wait3A_355 : memref<128x128xf32, #tpu.memory_space<vmem>>) dst(%dma_wait3A_351 : memref<128x128xf32, #tpu.memory_space<hbm>>)
    %dma_wait3A_356 = arith.constant 1 : i32
    %dma_wait3A_357 = arith.constant 0 : i32
    %dma_wait3A_358 = arith.constant 0 : i32
    %dma_wait3A_359 = tpu.memref_slice %arg12[%dma_wait3A_356, %dma_wait3A_357, %dma_wait3A_358] : memref<6x128x128xf32, #tpu.memory_space<vmem>> -> memref<1x128x128xf32, #tpu.memory_space<vmem>>
    %dma_wait3A_360 = tpu.memref_squeeze %dma_wait3A_359 : memref<1x128x128xf32, #tpu.memory_space<vmem>> -> memref<128x128xf32, #tpu.memory_space<vmem>>
    %dma_wait3A_361 = arith.constant 0 : i32
    %dma_wait3A_362 = tpu.memref_slice %arg10[%add3A_221, %dma_wait3A_361] : memref<24576x128xf32, #tpu.memory_space<hbm>> -> memref<128x128xf32, #tpu.memory_space<hbm>>
    %dma_wait3A_363 = arith.constant 0 : i32
    %dma_wait3A_364 = tpu.memref_slice %arg10[%add3A_221, %dma_wait3A_363] : memref<24576x128xf32, #tpu.memory_space<hbm>> -> memref<128x128xf32, #tpu.memory_space<hbm>>
    %dma_wait3A_365 = arith.constant 0 : i32
    %dma_wait3A_366 = arith.constant 0 : i32
    %dma_wait3A_367 = tpu.memref_slice %arg12[%dma_wait3A_356, %dma_wait3A_365, %dma_wait3A_366] : memref<6x128x128xf32, #tpu.memory_space<vmem>> -> memref<1x128x128xf32, #tpu.memory_space<vmem>>
    %dma_wait3A_368 = tpu.memref_squeeze %dma_wait3A_367 : memref<1x128x128xf32, #tpu.memory_space<vmem>> -> memref<128x128xf32, #tpu.memory_space<vmem>>
    tpu.wait_dma2 semaphore(%arg21 : memref<!tpu.dma_semaphore, #tpu.memory_space<semaphore_mem>>) src(%dma_wait3A_368 : memref<128x128xf32, #tpu.memory_space<vmem>>) dst(%dma_wait3A_364 : memref<128x128xf32, #tpu.memory_space<hbm>>)
    %dma_wait3A_369 = arith.constant 2 : i32
    %dma_wait3A_370 = arith.constant 0 : i32
    %dma_wait3A_371 = arith.constant 0 : i32
    %dma_wait3A_372 = tpu.memref_slice %arg12[%dma_wait3A_369, %dma_wait3A_370, %dma_wait3A_371] : memref<6x128x128xf32, #tpu.memory_space<vmem>> -> memref<1x128x128xf32, #tpu.memory_space<vmem>>
    %dma_wait3A_373 = tpu.memref_squeeze %dma_wait3A_372 : memref<1x128x128xf32, #tpu.memory_space<vmem>> -> memref<128x128xf32, #tpu.memory_space<vmem>>
    %dma_wait3A_374 = arith.constant 0 : i32
    %dma_wait3A_375 = tpu.memref_slice %arg10[%add3A_248, %dma_wait3A_374] : memref<24576x128xf32, #tpu.memory_space<hbm>> -> memref<128x128xf32, #tpu.memory_space<hbm>>
    %dma_wait3A_376 = arith.constant 0 : i32
    %dma_wait3A_377 = tpu.memref_slice %arg10[%add3A_248, %dma_wait3A_376] : memref<24576x128xf32, #tpu.memory_space<hbm>> -> memref<128x128xf32, #tpu.memory_space<hbm>>
    %dma_wait3A_378 = arith.constant 0 : i32
    %dma_wait3A_379 = arith.constant 0 : i32
    %dma_wait3A_380 = tpu.memref_slice %arg12[%dma_wait3A_369, %dma_wait3A_378, %dma_wait3A_379] : memref<6x128x128xf32, #tpu.memory_space<vmem>> -> memref<1x128x128xf32, #tpu.memory_space<vmem>>
    %dma_wait3A_381 = tpu.memref_squeeze %dma_wait3A_380 : memref<1x128x128xf32, #tpu.memory_space<vmem>> -> memref<128x128xf32, #tpu.memory_space<vmem>>
    tpu.wait_dma2 semaphore(%arg22 : memref<!tpu.dma_semaphore, #tpu.memory_space<semaphore_mem>>) src(%dma_wait3A_381 : memref<128x128xf32, #tpu.memory_space<vmem>>) dst(%dma_wait3A_377 : memref<128x128xf32, #tpu.memory_space<hbm>>)
    %dma_wait3A_382 = arith.constant 3 : i32
    %dma_wait3A_383 = arith.constant 0 : i32
    %dma_wait3A_384 = arith.constant 0 : i32
    %dma_wait3A_385 = tpu.memref_slice %arg12[%dma_wait3A_382, %dma_wait3A_383, %dma_wait3A_384] : memref<6x128x128xf32, #tpu.memory_space<vmem>> -> memref<1x128x128xf32, #tpu.memory_space<vmem>>
    %dma_wait3A_386 = tpu.memref_squeeze %dma_wait3A_385 : memref<1x128x128xf32, #tpu.memory_space<vmem>> -> memref<128x128xf32, #tpu.memory_space<vmem>>
    %dma_wait3A_387 = arith.constant 0 : i32
    %dma_wait3A_388 = tpu.memref_slice %arg10[%add3A_275, %dma_wait3A_387] : memref<24576x128xf32, #tpu.memory_space<hbm>> -> memref<128x128xf32, #tpu.memory_space<hbm>>
    %dma_wait3A_389 = arith.constant 0 : i32
    %dma_wait3A_390 = tpu.memref_slice %arg10[%add3A_275, %dma_wait3A_389] : memref<24576x128xf32, #tpu.memory_space<hbm>> -> memref<128x128xf32, #tpu.memory_space<hbm>>
    %dma_wait3A_391 = arith.constant 0 : i32
    %dma_wait3A_392 = arith.constant 0 : i32
    %dma_wait3A_393 = tpu.memref_slice %arg12[%dma_wait3A_382, %dma_wait3A_391, %dma_wait3A_392] : memref<6x128x128xf32, #tpu.memory_space<vmem>> -> memref<1x128x128xf32, #tpu.memory_space<vmem>>
    %dma_wait3A_394 = tpu.memref_squeeze %dma_wait3A_393 : memref<1x128x128xf32, #tpu.memory_space<vmem>> -> memref<128x128xf32, #tpu.memory_space<vmem>>
    tpu.wait_dma2 semaphore(%arg23 : memref<!tpu.dma_semaphore, #tpu.memory_space<semaphore_mem>>) src(%dma_wait3A_394 : memref<128x128xf32, #tpu.memory_space<vmem>>) dst(%dma_wait3A_390 : memref<128x128xf32, #tpu.memory_space<hbm>>)
    %dma_wait3A_395 = arith.constant 4 : i32
    %dma_wait3A_396 = arith.constant 0 : i32
    %dma_wait3A_397 = arith.constant 0 : i32
    %dma_wait3A_398 = tpu.memref_slice %arg12[%dma_wait3A_395, %dma_wait3A_396, %dma_wait3A_397] : memref<6x128x128xf32, #tpu.memory_space<vmem>> -> memref<1x128x128xf32, #tpu.memory_space<vmem>>
    %dma_wait3A_399 = tpu.memref_squeeze %dma_wait3A_398 : memref<1x128x128xf32, #tpu.memory_space<vmem>> -> memref<128x128xf32, #tpu.memory_space<vmem>>
    %dma_wait3A_400 = arith.constant 0 : i32
    %dma_wait3A_401 = tpu.memref_slice %arg10[%add3A_302, %dma_wait3A_400] : memref<24576x128xf32, #tpu.memory_space<hbm>> -> memref<128x128xf32, #tpu.memory_space<hbm>>
    %dma_wait3A_402 = arith.constant 0 : i32
    %dma_wait3A_403 = tpu.memref_slice %arg10[%add3A_302, %dma_wait3A_402] : memref<24576x128xf32, #tpu.memory_space<hbm>> -> memref<128x128xf32, #tpu.memory_space<hbm>>
    %dma_wait3A_404 = arith.constant 0 : i32
    %dma_wait3A_405 = arith.constant 0 : i32
    %dma_wait3A_406 = tpu.memref_slice %arg12[%dma_wait3A_395, %dma_wait3A_404, %dma_wait3A_405] : memref<6x128x128xf32, #tpu.memory_space<vmem>> -> memref<1x128x128xf32, #tpu.memory_space<vmem>>
    %dma_wait3A_407 = tpu.memref_squeeze %dma_wait3A_406 : memref<1x128x128xf32, #tpu.memory_space<vmem>> -> memref<128x128xf32, #tpu.memory_space<vmem>>
    tpu.wait_dma2 semaphore(%arg24 : memref<!tpu.dma_semaphore, #tpu.memory_space<semaphore_mem>>) src(%dma_wait3A_407 : memref<128x128xf32, #tpu.memory_space<vmem>>) dst(%dma_wait3A_403 : memref<128x128xf32, #tpu.memory_space<hbm>>)
    %dma_wait3A_408 = arith.constant 5 : i32
    %dma_wait3A_409 = arith.constant 0 : i32
    %dma_wait3A_410 = arith.constant 0 : i32
    %dma_wait3A_411 = tpu.memref_slice %arg12[%dma_wait3A_408, %dma_wait3A_409, %dma_wait3A_410] : memref<6x128x128xf32, #tpu.memory_space<vmem>> -> memref<1x128x128xf32, #tpu.memory_space<vmem>>
    %dma_wait3A_412 = tpu.memref_squeeze %dma_wait3A_411 : memref<1x128x128xf32, #tpu.memory_space<vmem>> -> memref<128x128xf32, #tpu.memory_space<vmem>>
    %dma_wait3A_413 = arith.constant 0 : i32
    %dma_wait3A_414 = tpu.memref_slice %arg10[%add3A_329, %dma_wait3A_413] : memref<24576x128xf32, #tpu.memory_space<hbm>> -> memref<128x128xf32, #tpu.memory_space<hbm>>
    %dma_wait3A_415 = arith.constant 0 : i32
    %dma_wait3A_416 = tpu.memref_slice %arg10[%add3A_329, %dma_wait3A_415] : memref<24576x128xf32, #tpu.memory_space<hbm>> -> memref<128x128xf32, #tpu.memory_space<hbm>>
    %dma_wait3A_417 = arith.constant 0 : i32
    %dma_wait3A_418 = arith.constant 0 : i32
    %dma_wait3A_419 = tpu.memref_slice %arg12[%dma_wait3A_408, %dma_wait3A_417, %dma_wait3A_418] : memref<6x128x128xf32, #tpu.memory_space<vmem>> -> memref<1x128x128xf32, #tpu.memory_space<vmem>>
    %dma_wait3A_420 = tpu.memref_squeeze %dma_wait3A_419 : memref<1x128x128xf32, #tpu.memory_space<vmem>> -> memref<128x128xf32, #tpu.memory_space<vmem>>
    tpu.wait_dma2 semaphore(%arg25 : memref<!tpu.dma_semaphore, #tpu.memory_space<semaphore_mem>>) src(%dma_wait3A_420 : memref<128x128xf32, #tpu.memory_space<vmem>>) dst(%dma_wait3A_416 : memref<128x128xf32, #tpu.memory_space<hbm>>)
    return
  }
}

module attributes {stable_mosaic.version = 14 : i64} {
  func.func @_dist_body(%arg0: i32, %arg1: memref<1x8192x128xf32, #tpu.memory_space<vmem>>, %arg2: memref<1x4096x128xf32, #tpu.memory_space<vmem>>, %arg3: memref<4096xf32, #tpu.memory_space<vmem>>, %arg4: memref<4096x128xf32, #tpu.memory_space<vmem>>) attributes {dimension_semantics = [#tpu.dimension_semantics<arbitrary>], iteration_bounds = array<i64: 2>, scalar_prefetch = 0 : i64, scratch_operands = 1 : i64, tpu.core_type = #tpu.core_type<tc>, window_params = [{transform_indices = @transform_0, window_bounds = array<i64: 1, 8192, 128>}, {transform_indices = @transform_1, window_bounds = array<i64: 1, 4096, 128>}, {pipeline_mode = #tpu.pipeline_mode<synchronous>, transform_indices = @transform_2, window_bounds = array<i64: 4096>}]} {
    %broadcast_in_dim3A = arith.constant 1.000000e+00 : f32
    %broadcast_in_dim3A_0 = vector.broadcast %broadcast_in_dim3A : f32 to vector<128x128xf32>
    %eq3A = arith.constant 0 : i32
    %eq3A_1 = arith.cmpi eq, %arg0, %eq3A : i32
    %convert_element_type3A = arith.extui %eq3A_1 : i1 to i32
    %cond3A = arith.constant 0 : i32
    %cond3A_2 = arith.cmpi ne, %convert_element_type3A, %cond3A : i32
    scf.if %cond3A_2 {
      %get3A = arith.constant 0 : index
      %get3A_8 = arith.constant 0 : index
      %get3A_9 = arith.constant 0 : index
      %get3A_10 = vector.load %arg1[%get3A, %get3A_8, %get3A_9] : memref<1x8192x128xf32, #tpu.memory_space<vmem>>, vector<1x8192x128xf32>
      %get3A_11 = vector.shape_cast %get3A_10 : vector<1x8192x128xf32> to vector<8192x128xf32>
      %get3A_12 = arith.constant 0 : index
      %get3A_13 = arith.constant 0 : index
      %get3A_14 = arith.constant 0 : index
      %get3A_15 = vector.load %arg2[%get3A_12, %get3A_13, %get3A_14] : memref<1x4096x128xf32, #tpu.memory_space<vmem>>, vector<1x4096x128xf32>
      %get3A_16 = vector.shape_cast %get3A_15 : vector<1x4096x128xf32> to vector<4096x128xf32>
      %mul3A = arith.mulf %get3A_11, %get3A_11 : vector<8192x128xf32>
      %dot_general3A = arith.constant dense<0.000000e+00> : vector<8192x128xf32>
      %dot_general3A_17 = tpu.matmul %mul3A, %broadcast_in_dim3A_0, %dot_general3A {dimension_numbers = #tpu.dot_dimension_numbers<[1], [0], [0], [1], [0, 0, 1, 1], [], []>, transpose_lhs_hint = false} : vector<8192x128xf32>, vector<128x128xf32>, vector<8192x128xf32> -> vector<8192x128xf32>
      %rsqrt3A = math.rsqrt %dot_general3A_17 : vector<8192x128xf32>
      %mul3A_18 = arith.mulf %get3A_11, %rsqrt3A : vector<8192x128xf32>
      %mul3A_19 = arith.mulf %get3A_16, %get3A_16 : vector<4096x128xf32>
      %dot_general3A_20 = arith.constant dense<0.000000e+00> : vector<4096x128xf32>
      %dot_general3A_21 = tpu.matmul %mul3A_19, %broadcast_in_dim3A_0, %dot_general3A_20 {dimension_numbers = #tpu.dot_dimension_numbers<[1], [0], [0], [1], [0, 0, 1, 1], [], []>, transpose_lhs_hint = false} : vector<4096x128xf32>, vector<128x128xf32>, vector<4096x128xf32> -> vector<4096x128xf32>
      %rsqrt3A_22 = math.rsqrt %dot_general3A_21 : vector<4096x128xf32>
      %mul3A_23 = arith.mulf %get3A_16, %rsqrt3A_22 : vector<4096x128xf32>
      %slice3A = vector.extract_strided_slice %mul3A_18 {offsets = [0, 0], sizes = [4096, 128], strides = [1, 1]} : vector<8192x128xf32> to vector<4096x128xf32>
      %add3A = arith.addf %slice3A, %mul3A_23 : vector<4096x128xf32>
      %slice3A_24 = vector.extract_strided_slice %mul3A_18 {offsets = [4096, 0], sizes = [4096, 128], strides = [1, 1]} : vector<8192x128xf32> to vector<4096x128xf32>
      %sub3A = arith.subf %add3A, %slice3A_24 : vector<4096x128xf32>
      %mul3A_25 = arith.mulf %sub3A, %sub3A : vector<4096x128xf32>
      %dot_general3A_26 = arith.constant dense<0.000000e+00> : vector<4096x128xf32>
      %dot_general3A_27 = tpu.matmul %mul3A_25, %broadcast_in_dim3A_0, %dot_general3A_26 {dimension_numbers = #tpu.dot_dimension_numbers<[1], [0], [0], [1], [0, 0, 1, 1], [], []>, transpose_lhs_hint = false} : vector<4096x128xf32>, vector<128x128xf32>, vector<4096x128xf32> -> vector<4096x128xf32>
      %sqrt3A = math.sqrt %dot_general3A_27 : vector<4096x128xf32>
      %swap3A = arith.constant 0 : index
      %swap3A_28 = arith.constant 0 : index
      %swap3A_29 = vector.load %arg4[%swap3A, %swap3A_28] : memref<4096x128xf32, #tpu.memory_space<vmem>>, vector<4096x128xf32>
      tpu.vector_store %arg4[%swap3A, %swap3A_28], %sqrt3A {strides = array<i32>} : memref<4096x128xf32, #tpu.memory_space<vmem>>, vector<4096x128xf32>,
    } else {
    }
    %eq3A_3 = arith.constant 1 : i32
    %eq3A_4 = arith.cmpi eq, %arg0, %eq3A_3 : i32
    %convert_element_type3A_5 = arith.extui %eq3A_4 : i1 to i32
    %cond3A_6 = arith.constant 0 : i32
    %cond3A_7 = arith.cmpi ne, %convert_element_type3A_5, %cond3A_6 : i32
    scf.if %cond3A_7 {
      %get3A = arith.constant 0 : index
      %get3A_8 = arith.constant 0 : index
      %get3A_9 = vector.load %arg4[%get3A, %get3A_8] : memref<4096x128xf32, #tpu.memory_space<vmem>>, vector<4096x128xf32>
      %get3A_10 = arith.constant 0 : index
      %get3A_11 = arith.constant 0 : index
      %get3A_12 = arith.constant 0 : index
      %get3A_13 = vector.load %arg1[%get3A_10, %get3A_11, %get3A_12] : memref<1x8192x128xf32, #tpu.memory_space<vmem>>, vector<1x8192x128xf32>
      %get3A_14 = vector.shape_cast %get3A_13 : vector<1x8192x128xf32> to vector<8192x128xf32>
      %get3A_15 = arith.constant 0 : index
      %get3A_16 = arith.constant 0 : index
      %get3A_17 = arith.constant 0 : index
      %get3A_18 = vector.load %arg2[%get3A_15, %get3A_16, %get3A_17] : memref<1x4096x128xf32, #tpu.memory_space<vmem>>, vector<1x4096x128xf32>
      %get3A_19 = vector.shape_cast %get3A_18 : vector<1x4096x128xf32> to vector<4096x128xf32>
      %mul3A = arith.mulf %get3A_14, %get3A_14 : vector<8192x128xf32>
      %dot_general3A = arith.constant dense<0.000000e+00> : vector<8192x128xf32>
      %dot_general3A_20 = tpu.matmul %mul3A, %broadcast_in_dim3A_0, %dot_general3A {dimension_numbers = #tpu.dot_dimension_numbers<[1], [0], [0], [1], [0, 0, 1, 1], [], []>, transpose_lhs_hint = false} : vector<8192x128xf32>, vector<128x128xf32>, vector<8192x128xf32> -> vector<8192x128xf32>
      %rsqrt3A = math.rsqrt %dot_general3A_20 : vector<8192x128xf32>
      %mul3A_21 = arith.mulf %get3A_14, %rsqrt3A : vector<8192x128xf32>
      %mul3A_22 = arith.mulf %get3A_19, %get3A_19 : vector<4096x128xf32>
      %dot_general3A_23 = arith.constant dense<0.000000e+00> : vector<4096x128xf32>
      %dot_general3A_24 = tpu.matmul %mul3A_22, %broadcast_in_dim3A_0, %dot_general3A_23 {dimension_numbers = #tpu.dot_dimension_numbers<[1], [0], [0], [1], [0, 0, 1, 1], [], []>, transpose_lhs_hint = false} : vector<4096x128xf32>, vector<128x128xf32>, vector<4096x128xf32> -> vector<4096x128xf32>
      %rsqrt3A_25 = math.rsqrt %dot_general3A_24 : vector<4096x128xf32>
      %mul3A_26 = arith.mulf %get3A_19, %rsqrt3A_25 : vector<4096x128xf32>
      %slice3A = vector.extract_strided_slice %mul3A_21 {offsets = [0, 0], sizes = [4096, 128], strides = [1, 1]} : vector<8192x128xf32> to vector<4096x128xf32>
      %add3A = arith.addf %slice3A, %mul3A_26 : vector<4096x128xf32>
      %slice3A_27 = vector.extract_strided_slice %mul3A_21 {offsets = [4096, 0], sizes = [4096, 128], strides = [1, 1]} : vector<8192x128xf32> to vector<4096x128xf32>
      %sub3A = arith.subf %add3A, %slice3A_27 : vector<4096x128xf32>
      %mul3A_28 = arith.mulf %sub3A, %sub3A : vector<4096x128xf32>
      %dot_general3A_29 = arith.constant dense<0.000000e+00> : vector<4096x128xf32>
      %dot_general3A_30 = tpu.matmul %mul3A_28, %broadcast_in_dim3A_0, %dot_general3A_29 {dimension_numbers = #tpu.dot_dimension_numbers<[1], [0], [0], [1], [0, 0, 1, 1], [], []>, transpose_lhs_hint = false} : vector<4096x128xf32>, vector<128x128xf32>, vector<4096x128xf32> -> vector<4096x128xf32>
      %sqrt3A = math.sqrt %dot_general3A_30 : vector<4096x128xf32>
      %sub3A_31 = arith.subf %get3A_9, %sqrt3A : vector<4096x128xf32>
      %slice3A_32 = vector.extract_strided_slice %sub3A_31 {offsets = [0, 0], sizes = [4096, 1], strides = [1, 1]} : vector<4096x128xf32> to vector<4096x1xf32>
      %squeeze3A = vector.shape_cast %slice3A_32 : vector<4096x1xf32> to vector<4096xf32>
      %swap3A = arith.constant 0 : index
      %swap3A_33 = vector.load %arg3[%swap3A] : memref<4096xf32, #tpu.memory_space<vmem>>, vector<4096xf32>
      tpu.vector_store %arg3[%swap3A], %squeeze3A {strides = array<i32>} : memref<4096xf32, #tpu.memory_space<vmem>>, vector<4096xf32>,
    } else {
    }
    return
  }
  func.func @transform_0(%arg0: i32) -> (i32, i32, i32) {
    %c0_i32 = arith.constant 0 : i32
    %c0_i32_0 = arith.constant 0 : i32
    %c0_i32_1 = arith.constant 0 : i32
    return %arg0, %c0_i32, %c0_i32_0 : i32, i32, i32
  }
  func.func @transform_1(%arg0: i32) -> (i32, i32, i32) {
    %c2_i32 = arith.constant 2 : i32
    %c0_i32 = arith.constant 0 : i32
    %c0_i32_0 = arith.constant 0 : i32
    return %arg0, %c2_i32, %c0_i32 : i32, i32, i32
  }
  func.func @transform_2(%arg0: i32) -> i32 {
    %c0_i32 = arith.constant 0 : i32
    %c0_i32_0 = arith.constant 0 : i32
    return %c0_i32 : i32
  }
}

module attributes {stable_mosaic.version = 14 : i64} {
  func.func @_reg_body(%arg0: i32, %arg1: memref<1x4096x128xf32, #tpu.memory_space<vmem>>, %arg2: memref<1x4096x128xf32, #tpu.memory_space<vmem>>, %arg3: memref<1x4096x128xf32, #tpu.memory_space<vmem>>, %arg4: memref<4096xf32, #tpu.memory_space<vmem>>, %arg5: memref<4096xf32, #tpu.memory_space<vmem>>) attributes {dimension_semantics = [#tpu.dimension_semantics<arbitrary>], iteration_bounds = array<i64: 1>, scalar_prefetch = 0 : i64, scratch_operands = 0 : i64, tpu.core_type = #tpu.core_type<tc>, window_params = [{transform_indices = @transform_0, window_bounds = array<i64: 1, 4096, 128>}, {transform_indices = @transform_1, window_bounds = array<i64: 1, 4096, 128>}, {transform_indices = @transform_2, window_bounds = array<i64: 1, 4096, 128>}, {pipeline_mode = #tpu.pipeline_mode<synchronous>, transform_indices = @transform_3, window_bounds = array<i64: 4096>}, {pipeline_mode = #tpu.pipeline_mode<synchronous>, transform_indices = @transform_4, window_bounds = array<i64: 4096>}]} {
    %get3A = arith.constant 0 : index
    %get3A_0 = arith.constant 0 : index
    %get3A_1 = arith.constant 0 : index
    %get3A_2 = vector.load %arg1[%get3A, %get3A_0, %get3A_1] : memref<1x4096x128xf32, #tpu.memory_space<vmem>>, vector<1x4096x128xf32>
    %get3A_3 = vector.shape_cast %get3A_2 : vector<1x4096x128xf32> to vector<4096x128xf32>
    %dot_general3A = arith.constant dense<0.000000e+00> : vector<128x128xf32>
    %dot_general3A_4 = tpu.matmul %get3A_3, %get3A_3, %dot_general3A {dimension_numbers = #tpu.dot_dimension_numbers<[0], [0], [1], [1], [0, 1, 1, 1], [], []>, transpose_lhs_hint = false} : vector<4096x128xf32>, vector<4096x128xf32>, vector<128x128xf32> -> vector<128x128xf32>
    %mul3A = arith.mulf %dot_general3A_4, %dot_general3A_4 : vector<128x128xf32>
    %reduce_sum3A = vector.shape_cast %mul3A : vector<128x128xf32> to vector<1x128x128xf32>
    %reduce_sum3A_5 = arith.constant dense<0.000000e+00> : vector<1xf32>
    %reduce_sum3A_6 = vector.multi_reduction <add>, %reduce_sum3A, %reduce_sum3A_5 [1, 2] : vector<1x128x128xf32> to vector<1xf32>
    %reduce_sum3A_7 = vector.shape_cast %reduce_sum3A_6 : vector<1xf32> to vector<1x1x1xf32>
    %reduce_sum3A_8 = vector.extract %reduce_sum3A_7[0, 0, 0] : f32 from vector<1x1x1xf32>
    %sqrt3A = math.sqrt %reduce_sum3A_8 : f32
    %add3A = arith.constant 0.000000e+00 : f32
    %add3A_9 = arith.addf %add3A, %sqrt3A : f32
    %get3A_10 = arith.constant 0 : index
    %get3A_11 = arith.constant 0 : index
    %get3A_12 = arith.constant 0 : index
    %get3A_13 = vector.load %arg2[%get3A_10, %get3A_11, %get3A_12] : memref<1x4096x128xf32, #tpu.memory_space<vmem>>, vector<1x4096x128xf32>
    %get3A_14 = vector.shape_cast %get3A_13 : vector<1x4096x128xf32> to vector<4096x128xf32>
    %dot_general3A_15 = arith.constant dense<0.000000e+00> : vector<128x128xf32>
    %dot_general3A_16 = tpu.matmul %get3A_14, %get3A_14, %dot_general3A_15 {dimension_numbers = #tpu.dot_dimension_numbers<[0], [0], [1], [1], [0, 1, 1, 1], [], []>, transpose_lhs_hint = false} : vector<4096x128xf32>, vector<4096x128xf32>, vector<128x128xf32> -> vector<128x128xf32>
    %mul3A_17 = arith.mulf %dot_general3A_16, %dot_general3A_16 : vector<128x128xf32>
    %reduce_sum3A_18 = vector.shape_cast %mul3A_17 : vector<128x128xf32> to vector<1x128x128xf32>
    %reduce_sum3A_19 = arith.constant dense<0.000000e+00> : vector<1xf32>
    %reduce_sum3A_20 = vector.multi_reduction <add>, %reduce_sum3A_18, %reduce_sum3A_19 [1, 2] : vector<1x128x128xf32> to vector<1xf32>
    %reduce_sum3A_21 = vector.shape_cast %reduce_sum3A_20 : vector<1xf32> to vector<1x1x1xf32>
    %reduce_sum3A_22 = vector.extract %reduce_sum3A_21[0, 0, 0] : f32 from vector<1x1x1xf32>
    %sqrt3A_23 = math.sqrt %reduce_sum3A_22 : f32
    %add3A_24 = arith.addf %add3A_9, %sqrt3A_23 : f32
    %get3A_25 = arith.constant 0 : index
    %get3A_26 = arith.constant 0 : index
    %get3A_27 = arith.constant 0 : index
    %get3A_28 = vector.load %arg3[%get3A_25, %get3A_26, %get3A_27] : memref<1x4096x128xf32, #tpu.memory_space<vmem>>, vector<1x4096x128xf32>
    %get3A_29 = vector.shape_cast %get3A_28 : vector<1x4096x128xf32> to vector<4096x128xf32>
    %dot_general3A_30 = arith.constant dense<0.000000e+00> : vector<128x128xf32>
    %dot_general3A_31 = tpu.matmul %get3A_29, %get3A_29, %dot_general3A_30 {dimension_numbers = #tpu.dot_dimension_numbers<[0], [0], [1], [1], [0, 1, 1, 1], [], []>, transpose_lhs_hint = false} : vector<4096x128xf32>, vector<4096x128xf32>, vector<128x128xf32> -> vector<128x128xf32>
    %mul3A_32 = arith.mulf %dot_general3A_31, %dot_general3A_31 : vector<128x128xf32>
    %reduce_sum3A_33 = vector.shape_cast %mul3A_32 : vector<128x128xf32> to vector<1x128x128xf32>
    %reduce_sum3A_34 = arith.constant dense<0.000000e+00> : vector<1xf32>
    %reduce_sum3A_35 = vector.multi_reduction <add>, %reduce_sum3A_33, %reduce_sum3A_34 [1, 2] : vector<1x128x128xf32> to vector<1xf32>
    %reduce_sum3A_36 = vector.shape_cast %reduce_sum3A_35 : vector<1xf32> to vector<1x1x1xf32>
    %reduce_sum3A_37 = vector.extract %reduce_sum3A_36[0, 0, 0] : f32 from vector<1x1x1xf32>
    %sqrt3A_38 = math.sqrt %reduce_sum3A_37 : f32
    %add3A_39 = arith.addf %add3A_24, %sqrt3A_38 : f32
    %get3A_40 = arith.constant 0 : index
    %get3A_41 = vector.load %arg4[%get3A_40] : memref<4096xf32, #tpu.memory_space<vmem>>, vector<4096xf32>
    %add3A_42 = arith.constant 1.000000e+00 : f32
    %add3A_43 = vector.broadcast %add3A_42 : f32 to vector<4096xf32>
    %add3A_44 = arith.addf %add3A_43, %get3A_41 : vector<4096xf32>
    %mul3A_45 = arith.constant 9.99999974E-5 : f32
    %mul3A_46 = arith.mulf %mul3A_45, %add3A_39 : f32
    %add3A_47 = vector.broadcast %mul3A_46 : f32 to vector<4096xf32>
    %add3A_48 = arith.addf %add3A_44, %add3A_47 : vector<4096xf32>
    %swap3A = arith.constant 0 : index
    %swap3A_49 = vector.load %arg5[%swap3A] : memref<4096xf32, #tpu.memory_space<vmem>>, vector<4096xf32>
    tpu.vector_store %arg5[%swap3A], %add3A_48 {strides = array<i32>} : memref<4096xf32, #tpu.memory_space<vmem>>, vector<4096xf32>,
    return
  }
  func.func @transform_0(%arg0: i32) -> (i32, i32, i32) {
    %c0_i32 = arith.constant 0 : i32
    %c0_i32_0 = arith.constant 0 : i32
    %c0_i32_1 = arith.constant 0 : i32
    %c0_i32_2 = arith.constant 0 : i32
    return %c0_i32, %c0_i32_0, %c0_i32_1 : i32, i32, i32
  }
  func.func @transform_1(%arg0: i32) -> (i32, i32, i32) {
    %c1_i32 = arith.constant 1 : i32
    %c0_i32 = arith.constant 0 : i32
    %c0_i32_0 = arith.constant 0 : i32
    %c0_i32_1 = arith.constant 0 : i32
    return %c1_i32, %c0_i32, %c0_i32_0 : i32, i32, i32
  }
  func.func @transform_2(%arg0: i32) -> (i32, i32, i32) {
    %c2_i32 = arith.constant 2 : i32
    %c0_i32 = arith.constant 0 : i32
    %c0_i32_0 = arith.constant 0 : i32
    %c0_i32_1 = arith.constant 0 : i32
    return %c2_i32, %c0_i32, %c0_i32_0 : i32, i32, i32
  }
  func.func @transform_3(%arg0: i32) -> i32 {
    %c0_i32 = arith.constant 0 : i32
    %c0_i32_0 = arith.constant 0 : i32
    return %c0_i32 : i32
  }
  func.func @transform_4(%arg0: i32) -> i32 {
    %c0_i32 = arith.constant 0 : i32
    %c0_i32_0 = arith.constant 0 : i32
    return %c0_i32 : i32
  }
}

</mosaic_0001>

<sc_bundles>
// kernel: kernel.6.cloned.1.call-start
scs
__scs_entry_jumppad:
0x0: {  	(pc) =	sbr.rel $0x88, $3  }
0x1: {  	(tag) =	ssettag $0x0;
	lr =	simm.s32 $0x1  }
0x2: {  	[smem:$0x3F96] =	sst lr;
	_ =	strace $0xD0000000  }
0x3: {  	_ = 	snop  }
0x4: {  	_ = 	snop  }
0x5: {  	_ = 	snop  }
0x6: {  	_ = 	snop  }
0x7: {  	_ = 	snop  }
__scs_overlays_trampoline_lowered:
0x8: {  	[smem:$0x3FA5] =	sst s0  }
0x9: {  	[smem:$0x3FA6] =	sst s1  }
0xa: {  	[smem:$0x3FA7] =	sst s2  }
0xb: {  	[smem:$0x3FA8] =	sst s3  }
0xc: {  	[smem:$0x3FA9] =	sst s4  }
0xd: {  	[smem:$0x3FAA] =	sst s5  }
0xe: {  	[smem:$0x3FAB] =	sst s6  }
0xf: {  	[smem:$0x3FAC] =	sst s7  }
0x10: {  	[smem:$0x3FAD] =	sst s8  }
0x11: {  	[smem:$0x3FAE] =	sst s9;
	s0 =	simm.s32 @!p0 $0x0  }
0x12: {  	s1 =	sld [smem:$0x3F94];
	s0 =	simm.s32 @p0 $0x1  }
0x13: {  	[smem:$0x3FAF] =	sst s0;
	s0 =	simm.s32 @!p1 $0x0  }
0x14: {  	s2 =	sld [smem:$0x3F93];
	s0 =	simm.s32 @p1 $0x1  }
0x15: {  	[smem:$0x3FB0] =	sst s0;
	s0 =	simm.s32 @!p2 $0x0  }
0x16: {  	s3 =	sld [smem:$0x3FDB];
	s0 =	simm.s32 @p2 $0x1  }
0x17: {  	s4 =	simm.s32 $0x1BF5;
	[smem:$0x3FB2] =	sst s0  }
0x18: {  	s0 =	sld [smem:$0x3F95];
	_ =	swait.ge [sflag:s4], $0x0  }
0x19: {  	s7 =	sld [smem:$0x3F96]  }
0x1a: {  	s8 =	sadd.s32 $0xFFFFE003, lr  }
0x1b: {  	s9 =	sadd.s32 $0xFFFFFEF7, lr;
	s5 =	simm.s32 $0xFFFFFFFF;
	p2 =	slt.u32 s8, $0xFFFFF086  }
0x1c: {  	p1 =	slt.u32 s9, $0xF7A;
	s5 =	simm.s32 @!p2 $0x0  }
0x1d: {  	s5 =	simm.s32 @p1 $0x1;
	p0 =	seq.s32 s7, s2  }
0x1e: {  	s7 =	smul.u32 @!p0 $0xF7A, s2;
	p2 =	seq.s32 @!p0 s5, $0x0  }
0x1f: {  	s9 =	smul.u32 $0xF7A, s1;
	s8 =	simm.s32 @!p0 $0x1BF5;
	p2 =	por !p2, p0  }
0x20: {  	[sflag:s8] =	ssyncset.s32 @!p0 $0xFFFFF086;
	s6 =	sadd.s32 @!p0 s3, s7;
	s7 =	simm.s32 @!p0 $0x108  }
0x21: {  	s3 =	sadd.s32 s3, s9;
	s6 =	sadd.s32 @!p0 $0x88, s6;
	s7 =	simm.s32 @p2 $0x1082  }
0x22: {  	[simem:s7], [sflag:s8] =	dma.local @!p0 [hbm:s6], $0xF7A  }
0x23: {  	s9 =	sor.u32 $0xD0000000, s2;
	s6 =	simm.s32 $0x108;
	_ =	swait.ge @!p0 [sflag:s8], $0x0  }
0x24: {  	s3 =	sadd.s32 $0x88, s3;
	s6 =	simm.s32 @!p1 $0x1082;
	[sflag:s4] =	ssyncset.s32 $0xFFFFF086  }
0x25: {  	[simem:s6], [sflag:s4] =	dma.local [hbm:s3], $0xF7A  }
0x26: {  	[smem:$0x3F96] =	sst s1;
	(tag) =	ssettag s2;
	_ =	strace s9  }
0x27: {  	s1 =	sld [smem:$0x3FA6]  }
0x28: {  	s2 =	sld [smem:$0x3FA7]  }
0x29: {  	s4 =	sld [smem:$0x3FA9]  }
0x2a: {  	p0 =	seq.s32 s5, $0x0;
	s5 =	sld [smem:$0x3FAA]  }
0x2b: {  	s6 =	sld [smem:$0x3FAB]  }
0x2c: {  	s7 =	sld [smem:$0x3FAC]  }
0x2d: {  	s3 =	simm.s32 $0x108;
	s8 =	sld [smem:$0x3FAD]  }
0x2e: {  	s3 =	simm.s32 @!p0 $0x1082;
	s9 =	sld [smem:$0x3FAE]  }
0x2f: {  	lr =	sadd.s32 s0, s3;
	s0 =	sld [smem:$0x3FA5]  }
0x30: {  	s3 =	sld [smem:$0x3FA8]  }
0x31: {  	[smem:$0x3FB1] =	sst s10  }
0x32: {  	s10 =	sld [smem:$0x3FAF];
	_ =	sdelay $0x3  }
0x33: {  	p0 =	seq.s32 s10, $0x1;
	s10 =	sld [smem:$0x3FB1];
	_ =	sdelay $0x3  }
0x34: {  	[smem:$0x3FB1] =	sst s10  }
0x35: {  	s10 =	sld [smem:$0x3FB0];
	_ =	sdelay $0x3  }
0x36: {  	p1 =	seq.s32 s10, $0x1;
	s10 =	sld [smem:$0x3FB1];
	_ =	sdelay $0x3  }
0x37: {  	[smem:$0x3FB1] =	sst s10  }
0x38: {  	s10 =	sld [smem:$0x3FB2]  }
0x39: {  	_ = 	snop;
	(pc) =	sbr.ind lr, $3  }
0x3a: {  	_ = 	snop  }
0x3b: {  	_ = 	snop  }
0x3c: {  	p2 =	seq.s32 s10, $0x1;
	s10 =	sld [smem:$0x3FB1]  }
0x3d: {  	_ =	shalt  }
0x3e: {  	_ =	shalt  }
0x3f: {  	_ =	shalt  }
0x40: {  	_ =	shalt  }
0x41: {  	_ =	shalt  }
0x42: {  	_ =	shalt  }
0x43: {  	_ =	shalt  }
0x44: {  	_ =	shalt  }
0x45: {  	_ =	shalt  }
0x46: {  	_ =	shalt  }
0x47: {  	_ =	shalt  }
0x48: {  	_ =	shalt  }
0x49: {  	_ =	shalt  }
0x4a: {  	_ =	shalt  }
0x4b: {  	_ =	shalt  }
0x4c: {  	_ =	shalt  }
0x4d: {  	_ =	shalt  }
0x4e: {  	_ =	shalt  }
0x4f: {  	_ =	shalt  }
0x50: {  	_ =	shalt  }
0x51: {  	_ =	shalt  }
0x52: {  	_ =	shalt  }
0x53: {  	_ =	shalt  }
0x54: {  	_ =	shalt  }
0x55: {  	_ =	shalt  }
0x56: {  	_ =	shalt  }
0x57: {  	_ =	shalt  }
0x58: {  	_ =	shalt  }
0x59: {  	_ =	shalt  }
0x5a: {  	_ =	shalt  }
0x5b: {  	_ =	shalt  }
0x5c: {  	_ =	shalt  }
0x5d: {  	_ =	shalt  }
0x5e: {  	_ =	shalt  }
0x5f: {  	_ =	shalt  }
0x60: {  	_ =	shalt  }
0x61: {  	_ =	shalt  }
0x62: {  	_ =	shalt  }
0x63: {  	_ =	shalt  }
0x64: {  	_ =	shalt  }
0x65: {  	_ =	shalt  }
0x66: {  	_ =	shalt  }
0x67: {  	_ =	shalt  }
0x68: {  	_ =	shalt  }
0x69: {  	_ =	shalt  }
0x6a: {  	_ =	shalt  }
0x6b: {  	_ =	shalt  }
0x6c: {  	_ =	shalt  }
0x6d: {  	_ =	shalt  }
0x6e: {  	_ =	shalt  }
0x6f: {  	_ =	shalt  }
0x70: {  	_ =	shalt  }
0x71: {  	_ =	shalt  }
0x72: {  	_ =	shalt  }
0x73: {  	_ =	shalt  }
0x74: {  	_ =	shalt  }
0x75: {  	_ =	shalt  }
0x76: {  	_ =	shalt  }
0x77: {  	_ =	shalt  }
0x78: {  	_ =	shalt  }
0x79: {  	_ =	shalt  }
0x7a: {  	_ =	shalt  }
0x7b: {  	_ =	shalt  }
0x7c: {  	_ =	shalt  }
0x7d: {  	_ =	shalt  }
0x7e: {  	_ =	shalt  }
0x7f: {  	_ =	shalt  }
0x80: {  	_ =	shalt  }
0x81: {  	_ =	shalt  }
0x82: {  	_ =	shalt  }
0x83: {  	_ =	shalt  }
0x84: {  	_ =	shalt  }
0x85: {  	_ =	shalt  }
0x86: {  	_ =	shalt  }
0x87: {  	_ =	shalt  }
.Lfunc_end0:
.L_simem_size_0:
called_computation_lowered:
.L_overlay_start_0:
0x88: {  	s2 =	sld [smem:$0x3FD9]  }
0x89: {  	s3 =	sld [smem:$0x3FFE];
	_ =	sdelay $0x1  }
0x8a: {  	s1 =	srdreg.scid  }
0x8b: {  	s0 =	sand.u32 $0x1, s1  }
0x8c: {  	s17 =	sshll.u32 s0, $0xA;
	s2 =	sadd.s32 s3, s2  }
0x8d: {  	s2 =	sadd.s32 s2, s17  }
0x8e: {  	[smem:$0x3FBD] =	sst s2  }
0x8f: {  	_ = 	snop  }
0x90: {  	s2 =	sld [smem:$0x3FC9]  }
0x91: {  	s18 =	sld [smem:$0x3FC8]  }
0x92: {  	s4 =	sld [smem:$0x3FC7]  }
0x93: {  	s5 =	sld [smem:$0x3FC6]  }
0x94: {  	s6 =	sld [smem:$0x3FC5]  }
0x95: {  	s7 =	sld [smem:$0x3FC4]  }
0x96: {  	s8 =	sld [smem:$0x3FC0]  }
0x97: {  	s9 =	sld [smem:$0x3FBF];
	(tm) =	ssettm $0x1  }
0x98: {  	s10 =	sld [smem:$0x3FFB];
	_ =	sdelay $0x3  }
0x99: {  	_ =	strace s10  }
0x9a: {  	s10 =	sld [smem:$0x3FFC];
	_ =	sdelay $0x3  }
0x9b: {  	_ =	strace s10  }
0x9c: {  	s10 =	sld [smem:$0x3FFD];
	_ =	sdelay $0x3  }
0x9d: {  	_ =	strace s10  }
0x9e: {  	_ =	strace $0x8FFFFFFF  }
0x9f: {  	s19 =	sld [smem:$0x3FDB];
	_ =	sdelay $0x1  }
0xa0: {  	s11 =	simm.s32 $_scs_section_size  }
0xa1: {  	s12 =	simm.s32 $_size__tile_overlayer_lowered;
	s13 =	simm.s32 $_tile_overlayer_lowered  }
0xa2: {  	s22 =	simm.s32 $0x1BFF;
	s21 =	sshll.u32 s13, $0x1;
	s10 =	sadd.s32 s11, s19  }
0xa3: {  	s14 =	simm.s32 $0x0;
	s20 =	sshll.u32 s12, $0x1;
	s12 =	sadd.s32 s21, s10  }
0xa4: {  	[timem:s14], [sflag:s22] =	dma.local [hbm:s12], s20  }
0xa5: {  	_ =	swait.ge [sflag:s22], s20  }
0xa6: {  	s11 =	ssub.s32 $0x0, s20;
	[sflag:s22] =	ssyncset.done $0x0  }
0xa7: {  	[sflag:s22] =	ssyncadd.s32 s11;
	_ =	sdelay $0x1  }
0xa8: {  	s23 =	simm.s32 $0x1B8B  }
0xa9: {  	_ =	swait.ge [sflag:s23], $0x1  }
0xaa: {  	[sflag:s23] =	ssyncset.done $0x0  }
0xab: {  	s25 =	simm.s32 $0x1B8E;
	s24 =	sld [smem:$0x3FFE];
	[sflag:s23] =	ssyncadd.s32 $0xFFFFFFFF  }
0xac: {  	s26 =	simm.s32 $execute0_lowered;
	[smem:$0x3FD2] =	sst s25  }
0xad: {  	s12 =	sshll.u32 s26, $0x1;
	_ =	strace $0x80000046;
	[dreg:$0x1] =	wrdreg $0xFFFFFFFF  }
0xae: {  	s28 =	simm.s32 $_size_execute0_lowered;
	s10 =	sadd.s32 s10, s12;
	[dreg:$0x0] =	wrdreg $0x0  }
0xaf: {  	s12 =	sshll.u32 s28, $0x1;
	[dreg:$0x2] =	wrdreg s10  }
0xb0: {  	[dreg:$0x3] =	wrdreg s12  }
0xb1: {  	[dreg:$0x4] =	wrdreg $0xC0  }
0xb2: {  	_ =	task [dreg:s14], $0x5FFFF  }
0xb3: {  	[dreg:$0x1] =	wrdreg $0xFFFFFFFF  }
0xb4: {  	[dreg:$0x0] =	wrdreg $0x60  }
0xb5: {  	[dreg:$0x2] =	wrdreg s2  }
0xb6: {  	[dreg:$0x3] =	wrdreg s18  }
0xb7: {  	[dreg:$0x4] =	wrdreg s4  }
0xb8: {  	[dreg:$0x5] =	wrdreg s5  }
0xb9: {  	[dreg:$0x6] =	wrdreg s6  }
0xba: {  	[dreg:$0x7] =	wrdreg s7  }
0xbb: {  	[dreg:$0x8] =	wrdreg s8  }
0xbc: {  	[dreg:$0x9] =	wrdreg s9  }
0xbd: {  	[dreg:$0xa] =	wrdreg s24  }
0xbe: {  	[dreg:$0xb] =	wrdreg $0x9  }
0xbf: {  	_ =	task.clear_ibuf [dreg:s14], $0xCFFFF;
	_ =	strace $0x90000046  }
0xc0: {  	s29 =	simm.s32 $0x9;
	_ =	strace $0x80000048  }
0xc1: {  	_ =	swait.ge [sflag:s29], $0x1  }
0xc2: {  	[sflag:s29] =	ssyncadd.s32 $0xFFFFFFFF  }
0xc3: {  	_ =	strace $0x90000048  }
0xc4: {  	_ =	sfence  }
0xc5: {  	s30 =	sld [smem:$0x0];
	_ =	sdelay $0x2  }
0xc6: {  	s31 =	sshll.u32 s1, $0xD;
	s1 =	sshrl.u32 s1, $0x2  }
0xc7: {  	s3 =	sand.u32 $0x4000, s31;
	s1 =	sadd.s32 s1, s30  }
0xc8: {  	s0 =	sor.u32 s3, s0;
	s1 =	sshll.u32 s1, $0x11  }
0xc9: {  	s0 =	sor.u32 s1, s0  }
0xca: {  	s0 =	sadd.s32 $0x8F2B, s0  }
0xcb: {  	[sflag:s0] =	ssyncadd.remote.s32 $0x1  }
0xcc: {  	_ =	sfence.sel $0xFFFF  }
0xcd: {  	[dreg:$0x0] =	wrdreg $0xFFFFFFFF;
	(pc) =	sbr.abs _section_cstart, $3  }
0xce: {  	[dreg:$0x1] =	wrdreg $0xFFFFFFFF  }
0xcf: {  	_ =	task.clear_ibuf [dreg:s14], $0x2FFFF;
	_ =	strace $0x9FFFFFFF  }
0xd0: {  	(tm) =	ssettm $0x7FFFFFFF  }
0xd1: {  	_ =	shalt  }
tec
execute0_lowered:
.L_overlay_start_1:
0x0: {  	(tag) =	ssettag $0x1  }
0x1: {  	s0 =	rddreg [dreg:$0x0]  }
0x2: {  	s1 =	rddreg [dreg:$0x1]  }
0x3: {  	s13 =	rddreg [dreg:$0x2]  }
0x4: {  	s6 =	rddreg [dreg:$0x3]  }
0x5: {  	s7 =	rddreg [dreg:$0x4]  }
0x6: {  	s8 =	rddreg [dreg:$0x5]  }
0x7: {  	s3 =	rddreg [dreg:$0x6]  }
0x8: {  	s2 =	srdreg.scid;
	s4 =	stileid.u32  }
0x9: {  	s10 =	rddreg [dreg:$0x8];
	s21 =	simm.s32 $0x80;
	s25 =	simm.s32 $0x180  }
0xa: {  	s28 =	simm.s32 $0x280;
	s31 =	simm.s32 $0x1;
	s24 =	simm.s32 $0x400  }
0xb: {  	s23 =	simm.s32 $0x4400;
	s20 =	simm.s32 $0x8400;
	s9 =	sand.u32 $0x1, s2  }
0xc: {  	s17 =	simm.s32 $0xC400;
	s11 =	sshll.u32 s4, $0x8;
	s12 =	sshll.u32 s9, $0x7  }
0xd: {  	s30 =	simm.s32 $0x2;
	s29 =	simm.s32 $0x3;
	s11 =	sor.u32 s12, s11  }
0xe: {  	s22 =	simm.s32 $0x4;
	s2 =	simm.s32 $0x0;
	s12 =	sshrl.u32 s11, $0x3  }
0xf: {  	s19 =	simm.s32 $0x5;
	[smem:$0x7FF] =	sst s2;
	s0 =	sadd.s32 s0, s12  }
0x10: {  	_ =	strace $0x80000047;
	s26 =	sadd.s32 s1, s12;
	[dreg:$0xa] =	wrdreg s0  }
0x11: {  	s18 =	simm.s32 $0x6;
	s1 =	sadd.s32 s13, s12;
	[dreg:$0xb] =	wrdreg s26  }
0x12: {  	p0 =	por $0x0, $0x0;
	s5 =	sadd.s32 s6, s12;
	[dreg:$0xc] =	wrdreg s1  }
0x13: {  	s6 =	sshll.u32 s11, $0x4;
	s7 =	sadd.s32 s7, s12;
	[dreg:$0xd] =	wrdreg s5  }
0x14: {  	s8 =	sadd.s32 s8, s12;
	s12 =	ssub.s32 $0x2, s9;
	[dreg:$0xe] =	wrdreg s7  }
0x15: {  	s1 =	sadd.s32 s6, s10;
	[dreg:$0xf] =	wrdreg s8;
	s14 =	sshrl.u32 s12, $0x1  }
0x16: {  	s5 =	simm.s32 $0x100;
	s26 =	simm.s32 $0x200;
	s8 =	simm.s32 $0xC  }
0x17: {  	s10 =	sadd.s32 $0xC00, s1;
	s11 =	sadd.s32 $0x10C00, s1;
	s7 =	ssub.s32 s12, s14  }
0x18: {  	s13 =	sadd.s32 $0x20C00, s1;
	s0 =	rddreg [dreg:$0xa];
	s16 =	smax.u32 s7, $0x1  }
0x19: {  	s15 =	sadd.s32 $0x30C00, s1;
	[dreg:$0x10] =	wrdreg s10;
	p1 =	sne.s32 s16, $0x1  }
.Ltmp0:
0x1a: {  	s9 =	sadd.s32 $0x40C00, s1;
	[dreg:$0x11] =	wrdreg s11;
	(pc) =	sbr.rel @!p1 .LBB2_1-.Ltmp0, $4  }
0x1b: {  	s6 =	sadd.s32 $0x50C00, s1;
	s14 =	simm.s32 $0x10400;
	[dreg:$0x12] =	wrdreg s13  }
0x1c: {  	s12 =	simm.s32 $0xA;
	[dreg:$0x13] =	wrdreg s15;
	s11 =	simm.s32 $0x14400  }
0x1d: {  	s15 =	simm.s32 $0x7;
	s13 =	simm.s32 $0x9;
	s10 =	simm.s32 $0xB  }
0x1e: {  	s7 =	simm.s32 $0xD;
	s1 =	sadd.s32 $0xFFFFFFFF, s16;
	s16 =	simm.s32 $0x8  }
0x1f: {  	[tilespmem:s2], [sflag:$0x1] =	stream.linear.gather [hbm4b:s0+s2], $0x80, $0x38;
	[tilespmem:$0x18400] =	vst v63  }
0x20: {  	s4 =	smov.u32 s1;
	s1 =	rddreg [dreg:$0xb]  }
0x21: {  	[tilespmem:s21], [sflag:$0x1] =	stream.linear.gather [hbm4b:s1+s2], $0x80, $0x38;
	[tilespmem:$0x18400] =	vst v63  }
0x22: {  	s0 =	rddreg [dreg:$0xc]  }
0x23: {  	[tilespmem:s5], [sflag:$0x1] =	stream.linear.gather [hbm4b:s0+s2], $0x80, $0x38;
	[tilespmem:$0x18400] =	vst v63  }
0x24: {  	s1 =	rddreg [dreg:$0xd]  }
0x25: {  	[tilespmem:s25], [sflag:$0x1] =	stream.linear.gather [hbm4b:s1+s2], $0x80, $0x38;
	[tilespmem:$0x18400] =	vst v63  }
0x26: {  	s0 =	rddreg [dreg:$0xe]  }
0x27: {  	[tilespmem:s26], [sflag:$0x1] =	stream.linear.gather [hbm4b:s0+s2], $0x80, $0x38;
	[tilespmem:$0x18400] =	vst v63  }
0x28: {  	s1 =	rddreg [dreg:$0xf]  }
0x29: {  	[tilespmem:s28], [sflag:$0x1] =	stream.linear.gather [hbm4b:s1+s2], $0x80, $0x38;
	[tilespmem:$0x18400] =	vst v63  }
0x2a: {  	_ =	swait.ge [sflag:s31], $0x80  }
0x2b: {  	[sflag:s31] =	ssyncset.done $0x0  }
0x2c: {  	[sflag:s31] =	ssyncadd.s32 $0xFFFFFF80  }
0x2d: {  	_ =	swait.ge [sflag:s31], $0x80  }
0x2e: {  	[sflag:s31] =	ssyncset.done $0x0  }
0x2f: {  	[sflag:s31] =	ssyncadd.s32 $0xFFFFFF80  }
0x30: {  	_ =	swait.ge [sflag:s31], $0x80  }
0x31: {  	[sflag:s31] =	ssyncset.done $0x0  }
0x32: {  	[sflag:s31] =	ssyncadd.s32 $0xFFFFFF80  }
0x33: {  	_ =	swait.ge [sflag:s31], $0x80  }
0x34: {  	[sflag:s31] =	ssyncset.done $0x0  }
0x35: {  	[sflag:s31] =	ssyncadd.s32 $0xFFFFFF80  }
0x36: {  	_ =	swait.ge [sflag:s31], $0x80  }
0x37: {  	[sflag:s31] =	ssyncset.done $0x0  }
0x38: {  	[sflag:s31] =	ssyncadd.s32 $0xFFFFFF80  }
0x39: {  	_ =	swait.ge [sflag:s31], $0x80  }
0x3a: {  	[sflag:s31] =	ssyncset.done $0x0  }
0x3b: {  	[sflag:s31] =	ssyncadd.s32 $0xFFFFFF80  }
0x3c: {  	[tilespmem:s24], [sflag:$0x2] =	stream.indirect.gather [hbm4b:s3+s21], $0x80, s2, s21, $0xb8;
	[tilespmem:$0x18400] =	vst v63  }
0x3d: {  	_ = 	snop  }
0x3e: {  	[tilespmem:s23], [sflag:$0x3] =	stream.indirect.gather [hbm4b:s3+s21], $0x80, s21, s21, $0xb8;
	[tilespmem:$0x18400] =	vst v63  }
0x3f: {  	s1 =	rddreg [dreg:$0x7]  }
0x40: {  	[tilespmem:s20], [sflag:$0x4] =	stream.indirect.gather [hbm4b:s1+s21], $0x80, s5, s21, $0xb8;
	[tilespmem:$0x18400] =	vst v63  }
0x41: {  	_ = 	snop  }
0x42: {  	[tilespmem:s17], [sflag:$0x5] =	stream.indirect.gather [hbm4b:s3+s21], $0x80, s25, s21, $0xb8;
	[tilespmem:$0x18400] =	vst v63  }
0x43: {  	_ = 	snop  }
0x44: {  	[tilespmem:s14], [sflag:$0x6] =	stream.indirect.gather [hbm4b:s3+s21], $0x80, s26, s21, $0xb8;
	[tilespmem:$0x18400] =	vst v63  }
0x45: {  	_ = 	snop  }
0x46: {  	[tilespmem:s11], [sflag:$0x7] =	stream.indirect.gather [hbm4b:s1+s21], $0x80, s28, s21, $0xb8;
	[tilespmem:$0x18400] =	vst v63  }
0x47: {  	_ =	swait.ge [sflag:s30], $0x4000  }
0x48: {  	[sflag:s30] =	ssyncset.done $0x0  }
0x49: {  	s1 =	rddreg [dreg:$0x10];
	[sflag:s30] =	ssyncadd.s32 $0xFFFFC000  }
0x4a: {  	[hbm4b:s1+s2] =	stream.linear.scatter [tilespmem:s24], [sflag:$0x8], $0x4000, $0x38;
	[tilespmem:$0x18400] =	vst v63  }
0x4b: {  	_ =	swait.ge [sflag:s29], $0x4000  }
0x4c: {  	[sflag:s29] =	ssyncset.done $0x0  }
0x4d: {  	s1 =	rddreg [dreg:$0x11];
	[sflag:s29] =	ssyncadd.s32 $0xFFFFC000  }
0x4e: {  	[hbm4b:s1+s2] =	stream.linear.scatter [tilespmem:s23], [sflag:$0x9], $0x4000, $0x38;
	[tilespmem:$0x18400] =	vst v63  }
0x4f: {  	_ =	swait.ge [sflag:s22], $0x4000  }
0x50: {  	[sflag:s22] =	ssyncset.done $0x0  }
0x51: {  	s1 =	rddreg [dreg:$0x12];
	[sflag:s22] =	ssyncadd.s32 $0xFFFFC000  }
0x52: {  	[hbm4b:s1+s2] =	stream.linear.scatter [tilespmem:s20], [sflag:$0xA], $0x4000, $0x38;
	[tilespmem:$0x18400] =	vst v63  }
0x53: {  	_ =	swait.ge [sflag:s19], $0x4000  }
0x54: {  	[sflag:s19] =	ssyncset.done $0x0  }
0x55: {  	s1 =	rddreg [dreg:$0x13];
	[sflag:s19] =	ssyncadd.s32 $0xFFFFC000  }
0x56: {  	[hbm4b:s1+s2] =	stream.linear.scatter [tilespmem:s17], [sflag:$0xB], $0x4000, $0x38;
	[tilespmem:$0x18400] =	vst v63  }
0x57: {  	_ =	swait.ge [sflag:s18], $0x4000  }
0x58: {  	[sflag:s18] =	ssyncset.done $0x0  }
0x59: {  	[sflag:s18] =	ssyncadd.s32 $0xFFFFC000  }
0x5a: {  	[hbm4b:s9+s2] =	stream.linear.scatter [tilespmem:s14], [sflag:$0xC], $0x4000, $0x38;
	[tilespmem:$0x18400] =	vst v63  }
0x5b: {  	_ =	swait.ge [sflag:s15], $0x4000  }
0x5c: {  	[sflag:s15] =	ssyncset.done $0x0  }
0x5d: {  	[sflag:s15] =	ssyncadd.s32 $0xFFFFC000  }
0x5e: {  	[hbm4b:s6+s2] =	stream.linear.scatter [tilespmem:s11], [sflag:$0xD], $0x4000, $0x38;
	[tilespmem:$0x18400] =	vst v63  }
0x5f: {  	_ =	swait.ge [sflag:s16], $0x4000  }
0x60: {  	[sflag:s16] =	ssyncset.done $0x0  }
0x61: {  	[sflag:s16] =	ssyncadd.s32 $0xFFFFC000  }
0x62: {  	_ =	swait.ge [sflag:s13], $0x4000  }
0x63: {  	[sflag:s13] =	ssyncset.done $0x0  }
0x64: {  	[sflag:s13] =	ssyncadd.s32 $0xFFFFC000  }
0x65: {  	_ =	swait.ge [sflag:s12], $0x4000  }
0x66: {  	[sflag:s12] =	ssyncset.done $0x0  }
0x67: {  	[sflag:s12] =	ssyncadd.s32 $0xFFFFC000  }
0x68: {  	_ =	swait.ge [sflag:s10], $0x4000  }
0x69: {  	[sflag:s10] =	ssyncset.done $0x0  }
0x6a: {  	p1 =	sne.s32 s4, $0x1;
	[sflag:s10] =	ssyncadd.s32 $0xFFFFC000  }
.Ltmp1:
0x6b: {  	_ =	swait.ge [sflag:s8], $0x4000;
	(pc) =	sbr.rel @!p1 .LBB2_3-.Ltmp1, $4  }
0x6c: {  	[sflag:s8] =	ssyncset.done $0x0  }
0x6d: {  	[sflag:s8] =	ssyncadd.s32 $0xFFFFC000  }
0x6e: {  	p0 =	por $0x1, $0x1;
	_ =	swait.ge [sflag:s7], $0x4000  }
0x6f: {  	s1 =	sadd.s32 $0xFFFFFFFF, s4;
	s0 =	rddreg [dreg:$0xa];
	[sflag:s7] =	ssyncset.done $0x0  }
.LBB2_4:
0x70: {  	[sflag:s7] =	ssyncadd.s32 $0xFFFFC000  }
0x71: {  	[tilespmem:s2], [sflag:$0x1] =	stream.linear.gather [hbm4b:s0+s2], $0x80, $0x38;
	[tilespmem:$0x18400] =	vst v63  }
0x72: {  	s4 =	rddreg [dreg:$0xb]  }
0x73: {  	[tilespmem:s21], [sflag:$0x1] =	stream.linear.gather [hbm4b:s4+s2], $0x80, $0x38;
	[tilespmem:$0x18400] =	vst v63  }
0x74: {  	s0 =	rddreg [dreg:$0xc]  }
0x75: {  	[tilespmem:s5], [sflag:$0x1] =	stream.linear.gather [hbm4b:s0+s2], $0x80, $0x38;
	[tilespmem:$0x18400] =	vst v63  }
0x76: {  	s4 =	rddreg [dreg:$0xd]  }
0x77: {  	[tilespmem:s25], [sflag:$0x1] =	stream.linear.gather [hbm4b:s4+s2], $0x80, $0x38;
	[tilespmem:$0x18400] =	vst v63  }
0x78: {  	s0 =	rddreg [dreg:$0xe]  }
0x79: {  	[tilespmem:s26], [sflag:$0x1] =	stream.linear.gather [hbm4b:s0+s2], $0x80, $0x38;
	[tilespmem:$0x18400] =	vst v63  }
0x7a: {  	s4 =	rddreg [dreg:$0xf]  }
0x7b: {  	[tilespmem:s28], [sflag:$0x1] =	stream.linear.gather [hbm4b:s4+s2], $0x80, $0x38;
	[tilespmem:$0x18400] =	vst v63  }
0x7c: {  	_ =	swait.ge [sflag:s31], $0x80  }
0x7d: {  	[sflag:s31] =	ssyncset.done $0x0  }
0x7e: {  	[sflag:s31] =	ssyncadd.s32 $0xFFFFFF80  }
0x7f: {  	_ =	swait.ge [sflag:s31], $0x80  }
0x80: {  	[sflag:s31] =	ssyncset.done $0x0  }
0x81: {  	[sflag:s31] =	ssyncadd.s32 $0xFFFFFF80  }
0x82: {  	_ =	swait.ge [sflag:s31], $0x80  }
0x83: {  	[sflag:s31] =	ssyncset.done $0x0  }
0x84: {  	[sflag:s31] =	ssyncadd.s32 $0xFFFFFF80  }
0x85: {  	_ =	swait.ge [sflag:s31], $0x80  }
0x86: {  	[sflag:s31] =	ssyncset.done $0x0  }
0x87: {  	[sflag:s31] =	ssyncadd.s32 $0xFFFFFF80  }
0x88: {  	_ =	swait.ge [sflag:s31], $0x80  }
0x89: {  	[sflag:s31] =	ssyncset.done $0x0  }
0x8a: {  	[sflag:s31] =	ssyncadd.s32 $0xFFFFFF80  }
0x8b: {  	_ =	swait.ge [sflag:s31], $0x80  }
0x8c: {  	[sflag:s31] =	ssyncset.done $0x0  }
0x8d: {  	[sflag:s31] =	ssyncadd.s32 $0xFFFFFF80  }
0x8e: {  	[tilespmem:s24], [sflag:$0x2] =	stream.indirect.gather [hbm4b:s3+s21], $0x80, s2, s21, $0xb8;
	[tilespmem:$0x18400] =	vst v63  }
0x8f: {  	_ = 	snop  }
0x90: {  	[tilespmem:s23], [sflag:$0x3] =	stream.indirect.gather [hbm4b:s3+s21], $0x80, s21, s21, $0xb8;
	[tilespmem:$0x18400] =	vst v63  }
0x91: {  	s4 =	rddreg [dreg:$0x7]  }
0x92: {  	[tilespmem:s20], [sflag:$0x4] =	stream.indirect.gather [hbm4b:s4+s21], $0x80, s5, s21, $0xb8;
	[tilespmem:$0x18400] =	vst v63  }
0x93: {  	_ = 	snop  }
0x94: {  	[tilespmem:s17], [sflag:$0x5] =	stream.indirect.gather [hbm4b:s3+s21], $0x80, s25, s21, $0xb8;
	[tilespmem:$0x18400] =	vst v63  }
0x95: {  	_ = 	snop  }
0x96: {  	[tilespmem:s14], [sflag:$0x6] =	stream.indirect.gather [hbm4b:s3+s21], $0x80, s26, s21, $0xb8;
	[tilespmem:$0x18400] =	vst v63  }
0x97: {  	_ = 	snop  }
0x98: {  	[tilespmem:s11], [sflag:$0x7] =	stream.indirect.gather [hbm4b:s4+s21], $0x80, s28, s21, $0xb8;
	[tilespmem:$0x18400] =	vst v63  }
0x99: {  	_ =	swait.ge [sflag:s30], $0x4000  }
0x9a: {  	[sflag:s30] =	ssyncset.done $0x0  }
0x9b: {  	s4 =	rddreg [dreg:$0x10];
	[sflag:s30] =	ssyncadd.s32 $0xFFFFC000  }
0x9c: {  	[hbm4b:s4+s2] =	stream.linear.scatter [tilespmem:s24], [sflag:$0x8], $0x4000, $0x38;
	[tilespmem:$0x18400] =	vst v63  }
0x9d: {  	_ =	swait.ge [sflag:s29], $0x4000  }
0x9e: {  	[sflag:s29] =	ssyncset.done $0x0  }
0x9f: {  	s4 =	rddreg [dreg:$0x11];
	[sflag:s29] =	ssyncadd.s32 $0xFFFFC000  }
0xa0: {  	[hbm4b:s4+s2] =	stream.linear.scatter [tilespmem:s23], [sflag:$0x9], $0x4000, $0x38;
	[tilespmem:$0x18400] =	vst v63  }
0xa1: {  	_ =	swait.ge [sflag:s22], $0x4000  }
0xa2: {  	[sflag:s22] =	ssyncset.done $0x0  }
0xa3: {  	s4 =	rddreg [dreg:$0x12];
	[sflag:s22] =	ssyncadd.s32 $0xFFFFC000  }
0xa4: {  	[hbm4b:s4+s2] =	stream.linear.scatter [tilespmem:s20], [sflag:$0xA], $0x4000, $0x38;
	[tilespmem:$0x18400] =	vst v63  }
0xa5: {  	_ =	swait.ge [sflag:s19], $0x4000  }
0xa6: {  	[sflag:s19] =	ssyncset.done $0x0  }
0xa7: {  	s4 =	rddreg [dreg:$0x13];
	[sflag:s19] =	ssyncadd.s32 $0xFFFFC000  }
0xa8: {  	[hbm4b:s4+s2] =	stream.linear.scatter [tilespmem:s17], [sflag:$0xB], $0x4000, $0x38;
	[tilespmem:$0x18400] =	vst v63  }
0xa9: {  	_ =	swait.ge [sflag:s18], $0x4000  }
0xaa: {  	[sflag:s18] =	ssyncset.done $0x0  }
0xab: {  	[sflag:s18] =	ssyncadd.s32 $0xFFFFC000  }
0xac: {  	[hbm4b:s9+s2] =	stream.linear.scatter [tilespmem:s14], [sflag:$0xC], $0x4000, $0x38;
	[tilespmem:$0x18400] =	vst v63  }
0xad: {  	_ =	swait.ge [sflag:s15], $0x4000  }
0xae: {  	[sflag:s15] =	ssyncset.done $0x0  }
0xaf: {  	[sflag:s15] =	ssyncadd.s32 $0xFFFFC000  }
0xb0: {  	[hbm4b:s6+s2] =	stream.linear.scatter [tilespmem:s11], [sflag:$0xD], $0x4000, $0x38;
	[tilespmem:$0x18400] =	vst v63  }
0xb1: {  	_ =	swait.ge [sflag:s16], $0x4000  }
0xb2: {  	[sflag:s16] =	ssyncset.done $0x0  }
0xb3: {  	[sflag:s16] =	ssyncadd.s32 $0xFFFFC000  }
0xb4: {  	_ =	swait.ge [sflag:s13], $0x4000  }
0xb5: {  	[sflag:s13] =	ssyncset.done $0x0  }
0xb6: {  	[sflag:s13] =	ssyncadd.s32 $0xFFFFC000  }
0xb7: {  	_ =	swait.ge [sflag:s12], $0x4000  }
0xb8: {  	[sflag:s12] =	ssyncset.done $0x0  }
0xb9: {  	[sflag:s12] =	ssyncadd.s32 $0xFFFFC000  }
0xba: {  	_ =	swait.ge [sflag:s10], $0x4000  }
0xbb: {  	[sflag:s10] =	ssyncset.done $0x0  }
0xbc: {  	p1 =	sne.s32 s1, $0x1;
	[sflag:s10] =	ssyncadd.s32 $0xFFFFC000  }
.Ltmp2:
0xbd: {  	_ =	swait.ge [sflag:s8], $0x4000;
	(pc) =	sbr.rel @p1 .LBB2_4-.Ltmp2, $4  }
0xbe: {  	[sflag:s8] =	ssyncset.done $0x0  }
0xbf: {  	[sflag:s8] =	ssyncadd.s32 $0xFFFFC000  }
0xc0: {  	_ =	swait.ge [sflag:s7], $0x4000  }
0xc1: {  	s1 =	sadd.s32 $0xFFFFFFFF, s1;
	s0 =	rddreg [dreg:$0xa];
	[sflag:s7] =	ssyncset.done $0x0  }
0xc2: {  	s11 =	rddreg [dreg:$0x7];
	s4 =	stileid.u32  }
.LBB2_6:
0xc3: {  	[sflag:s7] =	ssyncadd.s32 @p0 $0xFFFFC000  }
0xc4: {  	[tilespmem:s2], [sflag:$0x1] =	stream.linear.gather [hbm4b:s0+s2], $0x80, $0x38;
	[tilespmem:$0x18400] =	vst v63  }
0xc5: {  	s1 =	rddreg [dreg:$0xb]  }
0xc6: {  	[tilespmem:s21], [sflag:$0x1] =	stream.linear.gather [hbm4b:s1+s2], $0x80, $0x38;
	[tilespmem:$0x18400] =	vst v63  }
0xc7: {  	s17 =	rddreg [dreg:$0xc]  }
0xc8: {  	[tilespmem:s5], [sflag:$0x1] =	stream.linear.gather [hbm4b:s17+s2], $0x80, $0x38;
	[tilespmem:$0x18400] =	vst v63  }
0xc9: {  	s20 =	rddreg [dreg:$0xd]  }
0xca: {  	[tilespmem:s25], [sflag:$0x1] =	stream.linear.gather [hbm4b:s20+s2], $0x80, $0x38;
	[tilespmem:$0x18400] =	vst v63  }
0xcb: {  	s23 =	rddreg [dreg:$0xe]  }
0xcc: {  	[tilespmem:s26], [sflag:$0x1] =	stream.linear.gather [hbm4b:s23+s2], $0x80, $0x38;
	[tilespmem:$0x18400] =	vst v63  }
0xcd: {  	s24 =	rddreg [dreg:$0xf]  }
0xce: {  	[tilespmem:s28], [sflag:$0x1] =	stream.linear.gather [hbm4b:s24+s2], $0x80, $0x38;
	[tilespmem:$0x18400] =	vst v63  }
0xcf: {  	_ =	swait.ge [sflag:s31], $0x80  }
0xd0: {  	[sflag:s31] =	ssyncset.done $0x0  }
0xd1: {  	[sflag:s31] =	ssyncadd.s32 $0xFFFFFF80  }
0xd2: {  	_ =	swait.ge [sflag:s31], $0x80  }
0xd3: {  	[sflag:s31] =	ssyncset.done $0x0  }
0xd4: {  	[sflag:s31] =	ssyncadd.s32 $0xFFFFFF80  }
0xd5: {  	_ =	swait.ge [sflag:s31], $0x80  }
0xd6: {  	[sflag:s31] =	ssyncset.done $0x0  }
0xd7: {  	[sflag:s31] =	ssyncadd.s32 $0xFFFFFF80  }
0xd8: {  	_ =	swait.ge [sflag:s31], $0x80  }
0xd9: {  	[sflag:s31] =	ssyncset.done $0x0  }
0xda: {  	[sflag:s31] =	ssyncadd.s32 $0xFFFFFF80  }
0xdb: {  	_ =	swait.ge [sflag:s31], $0x80  }
0xdc: {  	[sflag:s31] =	ssyncset.done $0x0  }
0xdd: {  	[sflag:s31] =	ssyncadd.s32 $0xFFFFFF80  }
0xde: {  	_ =	swait.ge [sflag:s31], $0x80  }
0xdf: {  	[sflag:s31] =	ssyncset.done $0x0  }
0xe0: {  	s23 =	simm.s32 $0x400;
	[sflag:s31] =	ssyncadd.s32 $0xFFFFFF80  }
0xe1: {  	[tilespmem:s23], [sflag:$0x2] =	stream.indirect.gather [hbm4b:s3+s21], $0x80, s2, s21, $0xb8;
	[tilespmem:$0x18400] =	vst v63  }
0xe2: {  	s20 =	simm.s32 $0x4400  }
0xe3: {  	[tilespmem:s20], [sflag:$0x3] =	stream.indirect.gather [hbm4b:s3+s21], $0x80, s21, s21, $0xb8;
	[tilespmem:$0x18400] =	vst v63  }
0xe4: {  	s17 =	simm.s32 $0x8400  }
0xe5: {  	[tilespmem:s17], [sflag:$0x4] =	stream.indirect.gather [hbm4b:s11+s21], $0x80, s5, s21, $0xb8;
	[tilespmem:$0x18400] =	vst v63  }
0xe6: {  	s14 =	simm.s32 $0xC400  }
0xe7: {  	[tilespmem:s14], [sflag:$0x5] =	stream.indirect.gather [hbm4b:s3+s21], $0x80, s25, s21, $0xb8;
	[tilespmem:$0x18400] =	vst v63  }
0xe8: {  	s24 =	simm.s32 $0x10400  }
0xe9: {  	[tilespmem:s24], [sflag:$0x6] =	stream.indirect.gather [hbm4b:s3+s21], $0x80, s26, s21, $0xb8;
	[tilespmem:$0x18400] =	vst v63  }
0xea: {  	s1 =	smov.u32 s11;
	s25 =	simm.s32 $0x14400  }
0xeb: {  	[tilespmem:s25], [sflag:$0x7] =	stream.indirect.gather [hbm4b:s1+s21], $0x80, s28, s21, $0xb8;
	[tilespmem:$0x18400] =	vst v63  }
0xec: {  	_ =	swait.ge [sflag:s30], $0x4000  }
0xed: {  	[sflag:s30] =	ssyncset.done $0x0  }
0xee: {  	s26 =	rddreg [dreg:$0x10];
	[sflag:s30] =	ssyncadd.s32 $0xFFFFC000  }
0xef: {  	[hbm4b:s26+s2] =	stream.linear.scatter [tilespmem:s23], [sflag:$0x8], $0x4000, $0x38;
	[tilespmem:$0x18400] =	vst v63  }
0xf0: {  	_ =	swait.ge [sflag:s29], $0x4000  }
0xf1: {  	[sflag:s29] =	ssyncset.done $0x0  }
0xf2: {  	s28 =	rddreg [dreg:$0x11];
	[sflag:s29] =	ssyncadd.s32 $0xFFFFC000  }
0xf3: {  	[hbm4b:s28+s2] =	stream.linear.scatter [tilespmem:s20], [sflag:$0x9], $0x4000, $0x38;
	[tilespmem:$0x18400] =	vst v63  }
0xf4: {  	_ =	swait.ge [sflag:s22], $0x4000  }
0xf5: {  	[sflag:s22] =	ssyncset.done $0x0  }
0xf6: {  	s30 =	rddreg [dreg:$0x12];
	[sflag:s22] =	ssyncadd.s32 $0xFFFFC000  }
0xf7: {  	[hbm4b:s30+s2] =	stream.linear.scatter [tilespmem:s17], [sflag:$0xA], $0x4000, $0x38;
	[tilespmem:$0x18400] =	vst v63  }
0xf8: {  	_ =	swait.ge [sflag:s19], $0x4000  }
0xf9: {  	[sflag:s19] =	ssyncset.done $0x0  }
0xfa: {  	s31 =	rddreg [dreg:$0x13];
	[sflag:s19] =	ssyncadd.s32 $0xFFFFC000  }
0xfb: {  	[hbm4b:s31+s2] =	stream.linear.scatter [tilespmem:s14], [sflag:$0xB], $0x4000, $0x38;
	[tilespmem:$0x18400] =	vst v63  }
0xfc: {  	_ =	swait.ge [sflag:s18], $0x4000  }
0xfd: {  	[sflag:s18] =	ssyncset.done $0x0  }
0xfe: {  	[sflag:s18] =	ssyncadd.s32 $0xFFFFC000  }
0xff: {  	[hbm4b:s9+s2] =	stream.linear.scatter [tilespmem:s24], [sflag:$0xC], $0x4000, $0x38;
	[tilespmem:$0x18400] =	vst v63  }
0x100: {  	_ =	swait.ge [sflag:s15], $0x4000  }
0x101: {  	[sflag:s15] =	ssyncset.done $0x0  }
0x102: {  	[sflag:s15] =	ssyncadd.s32 $0xFFFFC000  }
0x103: {  	[hbm4b:s6+s2] =	stream.linear.scatter [tilespmem:s25], [sflag:$0xD], $0x4000, $0x38;
	[tilespmem:$0x18400] =	vst v63  }
0x104: {  	_ =	swait.ge [sflag:s16], $0x4000  }
0x105: {  	[sflag:s16] =	ssyncset.done $0x0  }
0x106: {  	[sflag:s16] =	ssyncadd.s32 $0xFFFFC000  }
0x107: {  	_ =	swait.ge [sflag:s13], $0x4000  }
0x108: {  	[sflag:s13] =	ssyncset.done $0x0  }
0x109: {  	[sflag:s13] =	ssyncadd.s32 $0xFFFFC000  }
0x10a: {  	_ =	swait.ge [sflag:s12], $0x4000  }
0x10b: {  	[sflag:s12] =	ssyncset.done $0x0  }
0x10c: {  	[sflag:s12] =	ssyncadd.s32 $0xFFFFC000  }
0x10d: {  	_ =	swait.ge [sflag:s10], $0x4000  }
0x10e: {  	[sflag:s10] =	ssyncset.done $0x0  }
0x10f: {  	[sflag:s10] =	ssyncadd.s32 $0xFFFFC000  }
0x110: {  	_ =	swait.ge [sflag:s8], $0x4000  }
0x111: {  	[sflag:s8] =	ssyncset.done $0x0  }
0x112: {  	[sflag:s8] =	ssyncadd.s32 $0xFFFFC000  }
0x113: {  	_ =	swait.ge [sflag:s7], $0x4000  }
0x114: {  	[sflag:s7] =	ssyncset.done $0x0  }
0x115: {  	[sflag:s7] =	ssyncadd.s32 $0xFFFFC000  }
0x116: {  	_ =	sfence.sel $0x180000  }
0x117: {  	[bflag:$0x0] =	sbarrier.arrive $0xFFFF  }
0x118: {  	_ =	strace $0x90000047  }
0x119: {  	[bflag:$0x2] =	sbarrier.arrive $0xFFFF  }
0x11a: {  	p0 =	sne.s32 s4, $0x0;
	s0 =	rddreg [dreg:$0x9]  }
0x11b: {  	s0 =	sadd.s32 @!p0 $0x100000, s0  }
0x11c: {  	[sflag:s0] =	ssyncadd.tile.s32 @!p0 $0x1;
	_ =	shalt  }
.LBB2_1:
.Ltmp3:
0x11d: {  	(pc) =	sbr.rel .LBB2_6-.Ltmp3, $2  }
0x11e: {  	_ =	sdelay $0x2  }
0x11f: {  	s11 =	rddreg [dreg:$0x7]  }
.LBB2_3:
.Ltmp4:
0x120: {  	(pc) =	sbr.rel .LBB2_6-.Ltmp4, $2  }
0x121: {  	_ =	sdelay $0x2  }
0x122: {  	s11 =	rddreg [dreg:$0x7];
	s4 =	stileid.u32  }
.Lfunc_end2:
_tile_overlayer_lowered:
.L_overlay_start_2:
0x123: {  	(tag) =	ssettag $0x2  }
0x124: {  	s0 =	rddreg [dreg:$0x0];
	s2 =	stileid.u32  }
0x125: {  	s1 =	rddreg [dreg:$0x1];
	p0 =	sne.s32 s2, $0x0  }
0x126: {  	s3 =	rddreg [dreg:$0x2];
	[bflag:$0x3] =	sbarrier.arrive $0xFFFF;
	s2 =	simm.s32 @!p0 $0x1C0E  }
0x127: {  	[timem:s3], [sflag:s2] =	dma.local @!p0 [hbm:s0], s1  }
0x128: {  	s0 =	simm.s32 @!p0 $0xE  }
0x129: {  	_ =	swait.ge @!p0 [sflag:s0], s1  }
0x12a: {  	s1 =	ssub.s32 @!p0 $0x0, s1;
	[sflag:s0] =	ssyncset.done @!p0 $0x0  }
0x12b: {  	[sflag:s0] =	ssyncadd.s32 @!p0 s1  }
0x12c: {  	[bflag:$0x3] =	sbarrier.arrive $0xFFFF  }
0x12d: {  	_ =	shalt  }

// kernel: kernel.9.cloned.1.call-start
scs
__scs_entry_jumppad:
0x0: {  	(pc) =	sbr.rel $0x88, $3  }
0x1: {  	(tag) =	ssettag $0x0;
	lr =	simm.s32 $0x1  }
0x2: {  	[smem:$0x3F96] =	sst lr;
	_ =	strace $0xD0000000  }
0x3: {  	_ = 	snop  }
0x4: {  	_ = 	snop  }
0x5: {  	_ = 	snop  }
0x6: {  	_ = 	snop  }
0x7: {  	_ = 	snop  }
__scs_overlays_trampoline_lowered:
0x8: {  	[smem:$0x3FA5] =	sst s0  }
0x9: {  	[smem:$0x3FA6] =	sst s1  }
0xa: {  	[smem:$0x3FA7] =	sst s2  }
0xb: {  	[smem:$0x3FA8] =	sst s3  }
0xc: {  	[smem:$0x3FA9] =	sst s4  }
0xd: {  	[smem:$0x3FAA] =	sst s5  }
0xe: {  	[smem:$0x3FAB] =	sst s6  }
0xf: {  	[smem:$0x3FAC] =	sst s7  }
0x10: {  	[smem:$0x3FAD] =	sst s8  }
0x11: {  	[smem:$0x3FAE] =	sst s9;
	s0 =	simm.s32 @!p0 $0x0  }
0x12: {  	s1 =	sld [smem:$0x3F94];
	s0 =	simm.s32 @p0 $0x1  }
0x13: {  	[smem:$0x3FAF] =	sst s0;
	s0 =	simm.s32 @!p1 $0x0  }
0x14: {  	s2 =	sld [smem:$0x3F93];
	s0 =	simm.s32 @p1 $0x1  }
0x15: {  	[smem:$0x3FB0] =	sst s0;
	s0 =	simm.s32 @!p2 $0x0  }
0x16: {  	s3 =	sld [smem:$0x3FDB];
	s0 =	simm.s32 @p2 $0x1  }
0x17: {  	s4 =	simm.s32 $0x1BF5;
	[smem:$0x3FB2] =	sst s0  }
0x18: {  	s0 =	sld [smem:$0x3F95];
	_ =	swait.ge [sflag:s4], $0x0  }
0x19: {  	s7 =	sld [smem:$0x3F96]  }
0x1a: {  	s8 =	sadd.s32 $0xFFFFE003, lr  }
0x1b: {  	s9 =	sadd.s32 $0xFFFFFEF7, lr;
	s5 =	simm.s32 $0xFFFFFFFF;
	p2 =	slt.u32 s8, $0xFFFFF086  }
0x1c: {  	p1 =	slt.u32 s9, $0xF7A;
	s5 =	simm.s32 @!p2 $0x0  }
0x1d: {  	s5 =	simm.s32 @p1 $0x1;
	p0 =	seq.s32 s7, s2  }
0x1e: {  	s7 =	smul.u32 @!p0 $0xF7A, s2;
	p2 =	seq.s32 @!p0 s5, $0x0  }
0x1f: {  	s9 =	smul.u32 $0xF7A, s1;
	s8 =	simm.s32 @!p0 $0x1BF5;
	p2 =	por !p2, p0  }
0x20: {  	[sflag:s8] =	ssyncset.s32 @!p0 $0xFFFFF086;
	s6 =	sadd.s32 @!p0 s3, s7;
	s7 =	simm.s32 @!p0 $0x108  }
0x21: {  	s3 =	sadd.s32 s3, s9;
	s6 =	sadd.s32 @!p0 $0x88, s6;
	s7 =	simm.s32 @p2 $0x1082  }
0x22: {  	[simem:s7], [sflag:s8] =	dma.local @!p0 [hbm:s6], $0xF7A  }
0x23: {  	s9 =	sor.u32 $0xD0000000, s2;
	s6 =	simm.s32 $0x108;
	_ =	swait.ge @!p0 [sflag:s8], $0x0  }
0x24: {  	s3 =	sadd.s32 $0x88, s3;
	s6 =	simm.s32 @!p1 $0x1082;
	[sflag:s4] =	ssyncset.s32 $0xFFFFF086  }
0x25: {  	[simem:s6], [sflag:s4] =	dma.local [hbm:s3], $0xF7A  }
0x26: {  	[smem:$0x3F96] =	sst s1;
	(tag) =	ssettag s2;
	_ =	strace s9  }
0x27: {  	s1 =	sld [smem:$0x3FA6]  }
0x28: {  	s2 =	sld [smem:$0x3FA7]  }
0x29: {  	s4 =	sld [smem:$0x3FA9]  }
0x2a: {  	p0 =	seq.s32 s5, $0x0;
	s5 =	sld [smem:$0x3FAA]  }
0x2b: {  	s6 =	sld [smem:$0x3FAB]  }
0x2c: {  	s7 =	sld [smem:$0x3FAC]  }
0x2d: {  	s3 =	simm.s32 $0x108;
	s8 =	sld [smem:$0x3FAD]  }
0x2e: {  	s3 =	simm.s32 @!p0 $0x1082;
	s9 =	sld [smem:$0x3FAE]  }
0x2f: {  	lr =	sadd.s32 s0, s3;
	s0 =	sld [smem:$0x3FA5]  }
0x30: {  	s3 =	sld [smem:$0x3FA8]  }
0x31: {  	[smem:$0x3FB1] =	sst s10  }
0x32: {  	s10 =	sld [smem:$0x3FAF];
	_ =	sdelay $0x3  }
0x33: {  	p0 =	seq.s32 s10, $0x1;
	s10 =	sld [smem:$0x3FB1];
	_ =	sdelay $0x3  }
0x34: {  	[smem:$0x3FB1] =	sst s10  }
0x35: {  	s10 =	sld [smem:$0x3FB0];
	_ =	sdelay $0x3  }
0x36: {  	p1 =	seq.s32 s10, $0x1;
	s10 =	sld [smem:$0x3FB1];
	_ =	sdelay $0x3  }
0x37: {  	[smem:$0x3FB1] =	sst s10  }
0x38: {  	s10 =	sld [smem:$0x3FB2]  }
0x39: {  	_ = 	snop;
	(pc) =	sbr.ind lr, $3  }
0x3a: {  	_ = 	snop  }
0x3b: {  	_ = 	snop  }
0x3c: {  	p2 =	seq.s32 s10, $0x1;
	s10 =	sld [smem:$0x3FB1]  }
0x3d: {  	_ =	shalt  }
0x3e: {  	_ =	shalt  }
0x3f: {  	_ =	shalt  }
0x40: {  	_ =	shalt  }
0x41: {  	_ =	shalt  }
0x42: {  	_ =	shalt  }
0x43: {  	_ =	shalt  }
0x44: {  	_ =	shalt  }
0x45: {  	_ =	shalt  }
0x46: {  	_ =	shalt  }
0x47: {  	_ =	shalt  }
0x48: {  	_ =	shalt  }
0x49: {  	_ =	shalt  }
0x4a: {  	_ =	shalt  }
0x4b: {  	_ =	shalt  }
0x4c: {  	_ =	shalt  }
0x4d: {  	_ =	shalt  }
0x4e: {  	_ =	shalt  }
0x4f: {  	_ =	shalt  }
0x50: {  	_ =	shalt  }
0x51: {  	_ =	shalt  }
0x52: {  	_ =	shalt  }
0x53: {  	_ =	shalt  }
0x54: {  	_ =	shalt  }
0x55: {  	_ =	shalt  }
0x56: {  	_ =	shalt  }
0x57: {  	_ =	shalt  }
0x58: {  	_ =	shalt  }
0x59: {  	_ =	shalt  }
0x5a: {  	_ =	shalt  }
0x5b: {  	_ =	shalt  }
0x5c: {  	_ =	shalt  }
0x5d: {  	_ =	shalt  }
0x5e: {  	_ =	shalt  }
0x5f: {  	_ =	shalt  }
0x60: {  	_ =	shalt  }
0x61: {  	_ =	shalt  }
0x62: {  	_ =	shalt  }
0x63: {  	_ =	shalt  }
0x64: {  	_ =	shalt  }
0x65: {  	_ =	shalt  }
0x66: {  	_ =	shalt  }
0x67: {  	_ =	shalt  }
0x68: {  	_ =	shalt  }
0x69: {  	_ =	shalt  }
0x6a: {  	_ =	shalt  }
0x6b: {  	_ =	shalt  }
0x6c: {  	_ =	shalt  }
0x6d: {  	_ =	shalt  }
0x6e: {  	_ =	shalt  }
0x6f: {  	_ =	shalt  }
0x70: {  	_ =	shalt  }
0x71: {  	_ =	shalt  }
0x72: {  	_ =	shalt  }
0x73: {  	_ =	shalt  }
0x74: {  	_ =	shalt  }
0x75: {  	_ =	shalt  }
0x76: {  	_ =	shalt  }
0x77: {  	_ =	shalt  }
0x78: {  	_ =	shalt  }
0x79: {  	_ =	shalt  }
0x7a: {  	_ =	shalt  }
0x7b: {  	_ =	shalt  }
0x7c: {  	_ =	shalt  }
0x7d: {  	_ =	shalt  }
0x7e: {  	_ =	shalt  }
0x7f: {  	_ =	shalt  }
0x80: {  	_ =	shalt  }
0x81: {  	_ =	shalt  }
0x82: {  	_ =	shalt  }
0x83: {  	_ =	shalt  }
0x84: {  	_ =	shalt  }
0x85: {  	_ =	shalt  }
0x86: {  	_ =	shalt  }
0x87: {  	_ =	shalt  }
.Lfunc_end0:
.L_simem_size_0:
called_computation.1_lowered:
.L_overlay_start_0:
0x88: {  	s2 =	sld [smem:$0x3FD9]  }
0x89: {  	s3 =	sld [smem:$0x3FFE];
	_ =	sdelay $0x1  }
0x8a: {  	s1 =	srdreg.scid  }
0x8b: {  	s0 =	sand.u32 $0x1, s1  }
0x8c: {  	s17 =	sshll.u32 s0, $0xA;
	s2 =	sadd.s32 s3, s2  }
0x8d: {  	s2 =	sadd.s32 s2, s17  }
0x8e: {  	[smem:$0x3FBD] =	sst s2  }
0x8f: {  	_ = 	snop  }
0x90: {  	s18 =	sld [smem:$0x3FC3]  }
0x91: {  	s4 =	sld [smem:$0x3FC2]  }
0x92: {  	s5 =	sld [smem:$0x3FC1]  }
0x93: {  	s6 =	sld [smem:$0x3FC0];
	(tm) =	ssettm $0x1  }
0x94: {  	s19 =	sld [smem:$0x3FFB];
	_ =	sdelay $0x3  }
0x95: {  	_ =	strace s19  }
0x96: {  	s2 =	sld [smem:$0x3FFC];
	_ =	sdelay $0x3  }
0x97: {  	_ =	strace s2  }
0x98: {  	s2 =	sld [smem:$0x3FFD];
	_ =	sdelay $0x3  }
0x99: {  	_ =	strace s2  }
0x9a: {  	_ =	strace $0x8FFFFFFF  }
0x9b: {  	s20 =	sld [smem:$0x3FDB];
	_ =	sdelay $0x1  }
0x9c: {  	s7 =	simm.s32 $_scs_section_size  }
0x9d: {  	s8 =	simm.s32 $_size__tile_overlayer_lowered;
	s9 =	simm.s32 $_tile_overlayer_lowered  }
0x9e: {  	s10 =	simm.s32 $0x1BFF;
	s21 =	sshll.u32 s9, $0x1;
	s7 =	sadd.s32 s7, s20  }
0x9f: {  	s22 =	simm.s32 $0x0;
	s8 =	sshll.u32 s8, $0x1;
	s9 =	sadd.s32 s21, s7  }
0xa0: {  	[timem:s22], [sflag:s10] =	dma.local [hbm:s9], s8  }
0xa1: {  	_ =	swait.ge [sflag:s10], s8  }
0xa2: {  	s8 =	ssub.s32 $0x0, s8;
	[sflag:s10] =	ssyncset.done $0x0  }
0xa3: {  	[sflag:s10] =	ssyncadd.s32 s8;
	_ =	sdelay $0x1  }
0xa4: {  	s23 =	simm.s32 $0x1B8B  }
0xa5: {  	_ =	swait.ge [sflag:s23], $0x1  }
0xa6: {  	[sflag:s23] =	ssyncset.done $0x0  }
0xa7: {  	[sflag:s23] =	ssyncadd.s32 $0xFFFFFFFF  }
0xa8: {  	s8 =	sld [smem:$0x0]  }
0xa9: {  	s9 =	sand.u32 $0xFFFFFFFE, s1  }
0xaa: {  	p0 =	sne.s32 s1, s9  }
0xab: {  	s9 =	sshll.u32 @p0 s9, $0xE  }
0xac: {  	s9 =	sadd.s32 @p0 $0x11B8D, s9;
	s10 =	sshll.u32 @p0 s8, $0x11  }
0xad: {  	s9 =	sor.u32 @p0 s10, s9  }
0xae: {  	[sflag:s9] =	ssyncadd.remote.s32 @p0 $0x1;
	_ =	sdelay $0x1  }
0xaf: {  	s9 =	simm.s32 @p0 $0x1B8D  }
0xb0: {  	_ =	swait.eq @p0 [sflag:s9], $0x1  }
0xb1: {  	[sflag:s9] =	ssyncadd.s32 @p0 $0xFFFFFFFF  }
0xb2: {  	s10 =	sshll.u32 @!p0 s1, $0xE  }
0xb3: {  	s10 =	sor.u32 @!p0 $0x4000, s10;
	s9 =	simm.s32 @!p0 $0x1B8D  }
0xb4: {  	s8 =	sshll.u32 @!p0 s8, $0x11;
	s10 =	sadd.s32 @!p0 $0x11B8D, s10;
	_ =	swait.eq @!p0 [sflag:s9], $0x1  }
0xb5: {  	s8 =	sor.u32 @!p0 s8, s10;
	[sflag:s9] =	ssyncadd.s32 @!p0 $0xFFFFFFFF  }
0xb6: {  	s25 =	simm.s32 $0x1B8E;
	s24 =	sld [smem:$0x3FFE];
	[sflag:s8] =	ssyncadd.remote.s32 @!p0 $0x1  }
0xb7: {  	s26 =	simm.s32 $execute0_lowered;
	[smem:$0x3FD2] =	sst s25  }
0xb8: {  	s9 =	sshll.u32 s26, $0x1;
	_ =	strace $0x80000049;
	[dreg:$0x1] =	wrdreg $0xFFFFFFFF  }
0xb9: {  	s28 =	simm.s32 $_size_execute0_lowered;
	s7 =	sadd.s32 s7, s9;
	[dreg:$0x0] =	wrdreg $0x0  }
0xba: {  	s9 =	sshll.u32 s28, $0x1;
	[dreg:$0x2] =	wrdreg s7  }
0xbb: {  	[dreg:$0x3] =	wrdreg s9  }
0xbc: {  	[dreg:$0x4] =	wrdreg $0xC0  }
0xbd: {  	_ =	task [dreg:s22], $0x5FFFF  }
0xbe: {  	[dreg:$0x1] =	wrdreg $0xFFFFFFFF  }
0xbf: {  	[dreg:$0x0] =	wrdreg $0x60  }
0xc0: {  	[dreg:$0x2] =	wrdreg s18  }
0xc1: {  	[dreg:$0x3] =	wrdreg s4  }
0xc2: {  	[dreg:$0x4] =	wrdreg s5  }
0xc3: {  	[dreg:$0x5] =	wrdreg s6  }
0xc4: {  	[dreg:$0x6] =	wrdreg s24  }
0xc5: {  	[dreg:$0x7] =	wrdreg $0xA  }
0xc6: {  	_ =	task.clear_ibuf [dreg:s22], $0x8FFFF;
	_ =	strace $0x90000049  }
0xc7: {  	s29 =	simm.s32 $0xA;
	_ =	strace $0x8000004B  }
0xc8: {  	_ =	swait.ge [sflag:s29], $0x1  }
0xc9: {  	[sflag:s29] =	ssyncadd.s32 $0xFFFFFFFF  }
0xca: {  	_ =	strace $0x9000004B  }
0xcb: {  	_ =	sfence  }
0xcc: {  	s30 =	sld [smem:$0x0];
	_ =	sdelay $0x2  }
0xcd: {  	s31 =	sshll.u32 s1, $0xD;
	s1 =	sshrl.u32 s1, $0x2  }
0xce: {  	s4 =	sand.u32 $0x4000, s31;
	s1 =	sadd.s32 s1, s30  }
0xcf: {  	s0 =	sor.u32 s4, s0;
	s1 =	sshll.u32 s1, $0x11  }
0xd0: {  	s0 =	sor.u32 s1, s0  }
0xd1: {  	s0 =	sadd.s32 $0x8F2B, s0  }
0xd2: {  	[sflag:s0] =	ssyncadd.remote.s32 $0x1  }
0xd3: {  	_ =	sfence.sel $0xFFFF  }
0xd4: {  	[dreg:$0x0] =	wrdreg $0xFFFFFFFF;
	(pc) =	sbr.abs _section_cstart, $3  }
0xd5: {  	[dreg:$0x1] =	wrdreg $0xFFFFFFFF  }
0xd6: {  	_ =	task.clear_ibuf [dreg:s22], $0x2FFFF;
	_ =	strace $0x9FFFFFFF  }
0xd7: {  	(tm) =	ssettm $0x7FFFFFFF  }
tec
execute0_lowered:
.L_overlay_start_1:
0x0: {  	(tag) =	ssettag $0x1  }
0x1: {  	s4 =	rddreg [dreg:$0x0]  }
0x2: {  	s5 =	rddreg [dreg:$0x1];
	s1 =	srdreg.scid  }
0x3: {  	s7 =	rddreg [dreg:$0x2];
	s0 =	stileid.u32;
	s20 =	sand.u32 $0x1, s1  }
0x4: {  	s2 =	rddreg [dreg:$0x3];
	s6 =	sshll.u32 s0, $0x8;
	s8 =	sshll.u32 s20, $0x7  }
0x5: {  	s14 =	rddreg [dreg:$0x4];
	s3 =	simm.s32 $0x0;
	s15 =	sor.u32 s8, s6  }
0x6: {  	[smem:$0x7FF] =	sst s3;
	s8 =	sshrl.u32 s15, $0x3  }
0x7: {  	s1 =	rddreg [dreg:$0x5];
	_ =	strace $0x8000004A;
	s4 =	sadd.s32 s4, s8  }
0x8: {  	[tilespmem:s3], [sflag:$0x1] =	stream.linear.gather [hbm4b:s4+s3], $0x80, $0x38;
	[tilespmem:$0x18200] =	vst v63  }
0x9: {  	s6 =	simm.s32 $0x80;
	s5 =	sadd.s32 s5, s8  }
0xa: {  	[tilespmem:s6], [sflag:$0x1] =	stream.linear.gather [hbm4b:s5+s3], $0x80, $0x38;
	[tilespmem:$0x18200] =	vst v63  }
0xb: {  	s9 =	simm.s32 $0x1;
	s7 =	sadd.s32 s7, s8;
	s8 =	simm.s32 $0x100  }
0xc: {  	[tilespmem:s8], [sflag:$0x1] =	stream.linear.gather [hbm4b:s7+s3], $0x80, $0x38;
	[tilespmem:$0x18200] =	vst v63  }
0xd: {  	_ =	swait.ge [sflag:s9], $0x80  }
0xe: {  	[sflag:s9] =	ssyncset.done $0x0  }
0xf: {  	[sflag:s9] =	ssyncadd.s32 $0xFFFFFF80  }
0x10: {  	_ =	swait.ge [sflag:s9], $0x80  }
0x11: {  	[sflag:s9] =	ssyncset.done $0x0  }
0x12: {  	[sflag:s9] =	ssyncadd.s32 $0xFFFFFF80  }
0x13: {  	_ =	swait.ge [sflag:s9], $0x80  }
0x14: {  	[sflag:s9] =	ssyncset.done $0x0  }
0x15: {  	s10 =	simm.s32 $0x200;
	[sflag:s9] =	ssyncadd.s32 $0xFFFFFF80  }
0x16: {  	[tilespmem:s10], [sflag:$0x2] =	stream.indirect.gather [hbm4b:s2+s6], $0x80, s3, s6, $0xb8;
	[tilespmem:$0x18200] =	vst v63  }
0x17: {  	s11 =	simm.s32 $0x4200  }
0x18: {  	[tilespmem:s11], [sflag:$0x3] =	stream.indirect.gather [hbm4b:s2+s6], $0x80, s6, s6, $0xb8;
	[tilespmem:$0x18200] =	vst v63  }
0x19: {  	s12 =	simm.s32 $0x8200;
	s13 =	simm.s32 $0x2  }
0x1a: {  	[tilespmem:s12], [sflag:$0x4] =	stream.indirect.gather [hbm4b:s2+s6], $0x80, s8, s6, $0xb8;
	[tilespmem:$0x18200] =	vst v63  }
0x1b: {  	s15 =	sshll.u32 s15, $0x4;
	_ =	swait.ge [sflag:s13], $0x4000  }
0x1c: {  	s18 =	sadd.s32 s15, s14;
	[sflag:s13] =	ssyncset.done $0x0  }
0x1d: {  	s15 =	simm.s32 $0x3;
	s14 =	sadd.s32 $0x60C00, s18;
	[sflag:s13] =	ssyncadd.s32 $0xFFFFC000  }
0x1e: {  	[hbm4b:s14+s3] =	stream.linear.scatter [tilespmem:s10], [sflag:$0x5], $0x4000, $0x38;
	[tilespmem:$0x18200] =	vst v63  }
0x1f: {  	_ =	swait.ge [sflag:s15], $0x4000  }
0x20: {  	[sflag:s15] =	ssyncset.done $0x0  }
0x21: {  	s17 =	simm.s32 $0x4;
	s16 =	sadd.s32 $0x70C00, s18;
	[sflag:s15] =	ssyncadd.s32 $0xFFFFC000  }
0x22: {  	[hbm4b:s16+s3] =	stream.linear.scatter [tilespmem:s11], [sflag:$0x6], $0x4000, $0x38;
	[tilespmem:$0x18200] =	vst v63  }
0x23: {  	_ =	swait.ge [sflag:s17], $0x4000  }
0x24: {  	s19 =	simm.s32 $0x5;
	s21 =	ssub.s32 $0x2, s20;
	[sflag:s17] =	ssyncset.done $0x0  }
0x25: {  	s22 =	sshrl.u32 s21, $0x1;
	s18 =	sadd.s32 $0x80C00, s18;
	[sflag:s17] =	ssyncadd.s32 $0xFFFFC000  }
0x26: {  	[hbm4b:s18+s3] =	stream.linear.scatter [tilespmem:s12], [sflag:$0x7], $0x4000, $0x38;
	[tilespmem:$0x18200] =	vst v63  }
0x27: {  	s21 =	ssub.s32 s21, s22;
	_ =	swait.ge [sflag:s19], $0x4000  }
0x28: {  	s22 =	smax.u32 s21, $0x1;
	[sflag:s19] =	ssyncset.done $0x0  }
0x29: {  	s20 =	simm.s32 $0x6;
	p0 =	sne.s32 s22, $0x1;
	[sflag:s19] =	ssyncadd.s32 $0xFFFFC000  }
.Ltmp0:
0x2a: {  	_ =	swait.ge [sflag:s20], $0x4000;
	(pc) =	sbr.rel @!p0 .LBB2_2-.Ltmp0, $4  }
0x2b: {  	[sflag:s20] =	ssyncset.done $0x0  }
0x2c: {  	s21 =	simm.s32 $0x7;
	[sflag:s20] =	ssyncadd.s32 $0xFFFFC000  }
0x2d: {  	_ =	swait.ge [sflag:s21], $0x4000  }
0x2e: {  	s22 =	sadd.s32 $0xFFFFFFFF, s22;
	[sflag:s21] =	ssyncset.done $0x0  }
.LBB2_1:
0x2f: {  	p0 =	sne.s32 s22, $0x1;
	s22 =	sadd.s32 $0xFFFFFFFF, s22;
	[sflag:s21] =	ssyncadd.s32 $0xFFFFC000  }
0x30: {  	[tilespmem:s3], [sflag:$0x1] =	stream.linear.gather [hbm4b:s4+s3], $0x80, $0x38;
	[tilespmem:$0x18200] =	vst v63  }
0x31: {  	_ = 	snop  }
0x32: {  	[tilespmem:s6], [sflag:$0x1] =	stream.linear.gather [hbm4b:s5+s3], $0x80, $0x38;
	[tilespmem:$0x18200] =	vst v63  }
0x33: {  	_ = 	snop  }
0x34: {  	[tilespmem:s8], [sflag:$0x1] =	stream.linear.gather [hbm4b:s7+s3], $0x80, $0x38;
	[tilespmem:$0x18200] =	vst v63  }
0x35: {  	_ =	swait.ge [sflag:s9], $0x80  }
0x36: {  	[sflag:s9] =	ssyncset.done $0x0  }
0x37: {  	[sflag:s9] =	ssyncadd.s32 $0xFFFFFF80  }
0x38: {  	_ =	swait.ge [sflag:s9], $0x80  }
0x39: {  	[sflag:s9] =	ssyncset.done $0x0  }
0x3a: {  	[sflag:s9] =	ssyncadd.s32 $0xFFFFFF80  }
0x3b: {  	_ =	swait.ge [sflag:s9], $0x80  }
0x3c: {  	[sflag:s9] =	ssyncset.done $0x0  }
0x3d: {  	[sflag:s9] =	ssyncadd.s32 $0xFFFFFF80  }
0x3e: {  	[tilespmem:s10], [sflag:$0x2] =	stream.indirect.gather [hbm4b:s2+s6], $0x80, s3, s6, $0xb8;
	[tilespmem:$0x18200] =	vst v63  }
0x3f: {  	_ = 	snop  }
0x40: {  	[tilespmem:s11], [sflag:$0x3] =	stream.indirect.gather [hbm4b:s2+s6], $0x80, s6, s6, $0xb8;
	[tilespmem:$0x18200] =	vst v63  }
0x41: {  	_ = 	snop  }
0x42: {  	[tilespmem:s12], [sflag:$0x4] =	stream.indirect.gather [hbm4b:s2+s6], $0x80, s8, s6, $0xb8;
	[tilespmem:$0x18200] =	vst v63  }
0x43: {  	_ =	swait.ge [sflag:s13], $0x4000  }
0x44: {  	[sflag:s13] =	ssyncset.done $0x0  }
0x45: {  	[sflag:s13] =	ssyncadd.s32 $0xFFFFC000  }
0x46: {  	[hbm4b:s14+s3] =	stream.linear.scatter [tilespmem:s10], [sflag:$0x5], $0x4000, $0x38;
	[tilespmem:$0x18200] =	vst v63  }
0x47: {  	_ =	swait.ge [sflag:s15], $0x4000  }
0x48: {  	[sflag:s15] =	ssyncset.done $0x0  }
0x49: {  	[sflag:s15] =	ssyncadd.s32 $0xFFFFC000  }
0x4a: {  	[hbm4b:s16+s3] =	stream.linear.scatter [tilespmem:s11], [sflag:$0x6], $0x4000, $0x38;
	[tilespmem:$0x18200] =	vst v63  }
0x4b: {  	_ =	swait.ge [sflag:s17], $0x4000  }
0x4c: {  	[sflag:s17] =	ssyncset.done $0x0  }
0x4d: {  	[sflag:s17] =	ssyncadd.s32 $0xFFFFC000  }
0x4e: {  	[hbm4b:s18+s3] =	stream.linear.scatter [tilespmem:s12], [sflag:$0x7], $0x4000, $0x38;
	[tilespmem:$0x18200] =	vst v63  }
0x4f: {  	_ =	swait.ge [sflag:s19], $0x4000  }
0x50: {  	[sflag:s19] =	ssyncset.done $0x0  }
0x51: {  	[sflag:s19] =	ssyncadd.s32 $0xFFFFC000  }
.Ltmp1:
0x52: {  	_ =	swait.ge [sflag:s20], $0x4000;
	(pc) =	sbr.rel @p0 .LBB2_1-.Ltmp1, $4  }
0x53: {  	[sflag:s20] =	ssyncset.done $0x0  }
0x54: {  	[sflag:s20] =	ssyncadd.s32 $0xFFFFC000  }
0x55: {  	_ =	swait.ge [sflag:s21], $0x4000  }
0x56: {  	[sflag:s21] =	ssyncset.done $0x0  }
.LBB2_2:
0x57: {  	[sflag:s21] =	ssyncadd.s32 $0xFFFFC000  }
0x58: {  	_ =	sfence.sel $0x180000  }
0x59: {  	[bflag:$0x0] =	sbarrier.arrive $0xFFFF  }
0x5a: {  	p0 =	sne.s32 s0, $0x0;
	_ =	strace $0x9000004A  }
0x5b: {  	s0 =	sadd.s32 @!p0 $0x100000, s1;
	[bflag:$0x2] =	sbarrier.arrive $0xFFFF  }
0x5c: {  	[sflag:s0] =	ssyncadd.tile.s32 @!p0 $0x1;
	_ =	shalt  }
.Lfunc_end2:
_tile_overlayer_lowered:
.L_overlay_start_2:
0x5d: {  	(tag) =	ssettag $0x2  }
0x5e: {  	s0 =	rddreg [dreg:$0x0];
	s2 =	stileid.u32  }
0x5f: {  	s1 =	rddreg [dreg:$0x1];
	p0 =	sne.s32 s2, $0x0  }
0x60: {  	s3 =	rddreg [dreg:$0x2];
	[bflag:$0x3] =	sbarrier.arrive $0xFFFF;
	s2 =	simm.s32 @!p0 $0x1C08  }
0x61: {  	[timem:s3], [sflag:s2] =	dma.local @!p0 [hbm:s0], s1  }
0x62: {  	s0 =	simm.s32 @!p0 $0x8  }
0x63: {  	_ =	swait.ge @!p0 [sflag:s0], s1  }
0x64: {  	s1 =	ssub.s32 @!p0 $0x0, s1;
	[sflag:s0] =	ssyncset.done @!p0 $0x0  }
0x65: {  	[sflag:s0] =	ssyncadd.s32 @!p0 s1  }
0x66: {  	[bflag:$0x3] =	sbarrier.arrive $0xFFFF  }
0x67: {  	_ =	shalt  }

</sc_bundles>
